<compile_context>
chip_gen: v7x
topology: tpu7x:2x2x1
jax: 0.10.2.dev20260603
libtpu: 0.0.44.dev20260713+nightly
codegen_flags: <defaults>
</compile_context>

<pallas_src>
import functools

import jax
import jax.numpy as jnp
from jax import lax
from jax.experimental import pallas as pl
from jax.experimental.pallas import tpu as pltpu
from jax.experimental.pallas import tpu_sc as plsc

_NW = 32
_LANES = 16


def _sc_d2(xs, ys, zs, ei_flat, E):
    N_NODES = xs.shape[0]
    per_w = E // _NW
    C = 2000
    assert per_w % C == 0 and C % _LANES == 0
    n_chunks = per_w // C
    assert n_chunks % 2 == 1 and n_chunks >= 3
    groups = C // _LANES

    mesh = plsc.VectorSubcoreMesh(core_axis_name="c", subcore_axis_name="s")

    @functools.partial(
        pl.kernel,
        mesh=mesh,
        out_type=jax.ShapeDtypeStruct((E,), jnp.float32),
        scratch_types=[
            pltpu.VMEM((2 * C,), jnp.int32),
            pltpu.VMEM((2 * C,), jnp.int32),
            pltpu.VMEM((2 * C,), jnp.float32),
            pltpu.VMEM((2 * C,), jnp.float32),
            pltpu.VMEM((2 * C,), jnp.float32),
            pltpu.VMEM((2 * C,), jnp.float32),
            pltpu.VMEM((2 * C,), jnp.float32),
            pltpu.VMEM((2 * C,), jnp.float32),
            pltpu.VMEM((C,), jnp.float32),
            pltpu.VMEM((C,), jnp.float32),
            pltpu.VMEM_SHARED((N_NODES,), jnp.float32),
            pltpu.VMEM_SHARED((N_NODES,), jnp.float32),
            pltpu.VMEM_SHARED((N_NODES,), jnp.float32),
            pltpu.SemaphoreType.DMA,
            pltpu.SemaphoreType.DMA,
            pltpu.SemaphoreType.DMA,
            pltpu.SemaphoreType.DMA,
            pltpu.SemaphoreType.DMA,
            pltpu.SemaphoreType.DMA,
        ],
    )
    def sc_kernel(xs_hbm, ys_hbm, zs_hbm, ei_hbm, d2_hbm,
                  idx0, idx1, xb0, yb0, zb0, xb1, yb1, zb1, d20, d21,
                  xs_sh, ys_sh, zs_sh,
                  semi0, semi1, semg0, semg1, semd0, semd1):
        wid = lax.axis_index("s") * 2 + lax.axis_index("c")
        base = wid * per_w
        @pl.when(lax.axis_index("s") == 0)
        def _():
            pltpu.sync_copy(xs_hbm, xs_sh)
            pltpu.sync_copy(ys_hbm, ys_sh)
            pltpu.sync_copy(zs_hbm, zs_sh)
        plsc.subcore_barrier()
        idx = (idx0, idx1)
        xb = (xb0, xb1)
        yb = (yb0, yb1)
        zb = (zb0, zb1)
        d2c = (d20, d21)
        semi = (semi0, semi1)
        semg = (semg0, semg1)
        semd = (semd0, semd1)
        planes = (xs_sh, ys_sh, zs_sh)

        def fire_idx(ci, b):
            cb = base + ci * C
            pltpu.async_copy(ei_hbm.at[pl.ds(cb, C)], idx[b].at[pl.ds(0, C)],
                             semi[b])
            pltpu.async_copy(ei_hbm.at[pl.ds(E + cb, C)], idx[b].at[pl.ds(C, C)],
                             semi[b])

        def wait_idx(b):
            cb0 = base
            pltpu.make_async_copy(ei_hbm.at[pl.ds(cb0, C)],
                                  idx[b].at[pl.ds(0, C)], semi[b]).wait()
            pltpu.make_async_copy(ei_hbm.at[pl.ds(E + cb0, C)],
                                  idx[b].at[pl.ds(C, C)], semi[b]).wait()

        def fire_gathers(b):
            for plane, buf in zip(planes, (xb[b], yb[b], zb[b])):
                for h in (0, 1):
                    pltpu.async_copy(plane.at[idx[b].at[pl.ds(h * C, C)]],
                                     buf.at[pl.ds(h * C, C)], semg[b])

        def wait_gathers(b):
            for plane, buf in zip(planes, (xb[b], yb[b], zb[b])):
                for h in (0, 1):
                    pltpu.make_async_copy(plane.at[idx[b].at[pl.ds(h * C, C)]],
                                          buf.at[pl.ds(h * C, C)],
                                          semg[b]).wait()

        def fire_store(ci, b):
            cb = base + ci * C
            pltpu.async_copy(d2c[b], d2_hbm.at[pl.ds(cb, C)], semd[b])

        def wait_store(ci, b):
            cb = base + ci * C
            pltpu.make_async_copy(d2c[b], d2_hbm.at[pl.ds(cb, C)],
                                  semd[b]).wait()

        def compute(b):
            xbb, ybb, zbb, out = xb[b], yb[b], zb[b], d2c[b]

            def grp(gi, _):
                o = gi * _LANES
                sl = pl.ds(o, _LANES)
                sl2 = pl.ds(C + o, _LANES)
                ddx = xbb[sl] - xbb[sl2]
                ddy = ybb[sl] - ybb[sl2]
                ddz = zbb[sl] - zbb[sl2]
                out[sl] = ddx * ddx + ddy * ddy + ddz * ddz
                return 0

            lax.fori_loop(0, groups, grp, 0)

        fire_idx(0, 0)
        wait_idx(0)
        fire_gathers(0)
        fire_idx(1, 1)

        def pair_body(p, _):
            for off in (0, 1):
                b = off
                ci = 2 * p + off
                wait_gathers(b)
                @pl.when(ci + 2 < n_chunks)
                def _():
                    fire_idx(ci + 2, b)
                @pl.when(ci + 1 < n_chunks)
                def _():
                    wait_idx(1 - b)
                    fire_gathers(1 - b)
                @pl.when(ci >= 2)
                def _():
                    wait_store(ci - 2, b)
                compute(b)
                fire_store(ci, b)
            return 0

        lax.fori_loop(0, (n_chunks - 1) // 2, pair_body, 0)

        ci = n_chunks - 1
        wait_gathers(0)
        wait_store(ci - 2, 0)
        compute(0)
        fire_store(ci, 0)
        wait_store(ci - 1, 1)
        wait_store(ci, 0)

    return sc_kernel(xs, ys, zs, ei_flat)


def _tc_expand(d2, shift_col, scale_col):
    E = d2.shape[0]
    NG = shift_col.shape[0]
    BL = 32768

    def body(d2_ref, sh_ref, sc_ref, out_ref):
        norm = jnp.sqrt(d2_ref[...])
        sh = sh_ref[...]
        sc = sc_ref[...]
        inv = -0.5 / (sc * sc)
        diff = norm[None, :] - sh
        out_ref[...] = jnp.exp(diff * diff * inv)

    return pl.pallas_call(
        body,
        grid=(pl.cdiv(E, BL),),
        in_specs=[
            pl.BlockSpec((BL,), lambda i: (i,)),
            pl.BlockSpec((NG, 1), lambda i: (0, 0)),
            pl.BlockSpec((NG, 1), lambda i: (0, 0)),
        ],
        out_specs=pl.BlockSpec((NG, BL), lambda i: (0, i)),
        out_shape=jax.ShapeDtypeStruct((NG, E), jnp.float32),
    )(d2, shift_col, scale_col)


def kernel(pos, edge_index, shift, scale):
    NG = shift.shape[0]
    E = edge_index.shape[1]
    ei_flat = edge_index.astype(jnp.int32).reshape(2 * E)
    posf = pos.astype(jnp.float32)
    xs = posf[:, 0]
    ys = posf[:, 1]
    zs = posf[:, 2]
    d2 = _sc_d2(xs, ys, zs, ei_flat, E)
    out_t = _tc_expand(d2, shift.reshape(NG, 1), scale.reshape(NG, 1))
    return out_t.T

# --- scband reference (transcript-rebuilt; emitter-appended) ---
"""Pipeline reference for scband-gaussian-embedding-1675037245796 (READ-ONLY COPY).

The authoritative reference and input builder live on the scoring server;
editing this copy changes nothing except your own understanding.
"""

import jax, jax.numpy as jnp
import numpy as np

NUM_GAUSSIANS = 16
MIN_RANGE = 0.0
MAX_RANGE = 5.0
INTERSECTION = 0.5

def _gaussian_width():
    diff = (MAX_RANGE - MIN_RANGE) / (NUM_GAUSSIANS - 1)
    return diff / np.sqrt(-8.0 * np.log(INTERSECTION))

def setup_inputs(seed: int = 0) -> dict:
    key = jax.random.key(seed)
    k1, k2 = jax.random.split(key)
    n_nodes = 100000
    n_edges = 1600000
    pos = jax.random.normal(k1, (n_nodes, 3), dtype=jnp.float32) * 3.0
    edge_index = jax.random.randint(k2, (2, n_edges), 0, n_nodes, dtype=jnp.int64)
    # learned parameters (as initialized in __init__)
    shift = jnp.linspace(MIN_RANGE, MAX_RANGE, NUM_GAUSSIANS, dtype=jnp.float32)
    scale = jnp.ones((NUM_GAUSSIANS,), dtype=jnp.float32) * jnp.float32(_gaussian_width())
    return {"pos": pos, "edge_index": edge_index, "shift": shift, "scale": scale}

def reference(pos, edge_index, shift, scale):
    # compute_edge_vec (lframes=None path)
    pos_i = jnp.take(pos, edge_index[1], axis=0)
    pos_j = jnp.take(pos, edge_index[0], axis=0)
    edge_vec = pos_j - pos_i
    # RadialEmbedding.forward
    norm = jnp.linalg.norm(edge_vec, axis=-1, keepdims=True)  # (E, 1)
    # GaussianEmbedding.compute_embedding (normalized=False)
    squared_diff = jnp.square(norm - shift)  # (E, num_gaussians)
    squared_scale = jnp.square(scale)
    gaussian = jnp.exp(-squared_diff / (2.0 * squared_scale))
    return gaussian

if __name__ == "__main__":
    import jax
    _d = setup_inputs()
    print(jax.jit(kernel)(*tuple(_d.values())))

</pallas_src>

<mosaic_0001>
#map = affine_map<(d0, d1) -> (0)>
module attributes {stable_mosaic.version = 14 : i64} {
  func.func @sc_kernel(%arg0: i32, %arg1: i32, %arg2: memref<100000xf32, #tpu.memory_space<hbm>>, %arg3: memref<100000xf32, #tpu.memory_space<hbm>>, %arg4: memref<100000xf32, #tpu.memory_space<hbm>>, %arg5: memref<3200000xi32, #tpu.memory_space<hbm>>, %arg6: memref<1600000xf32, #tpu.memory_space<hbm>>, %arg7: memref<4000xi32, #tpu.memory_space<vmem>>, %arg8: memref<4000xi32, #tpu.memory_space<vmem>>, %arg9: memref<4000xf32, #tpu.memory_space<vmem>>, %arg10: memref<4000xf32, #tpu.memory_space<vmem>>, %arg11: memref<4000xf32, #tpu.memory_space<vmem>>, %arg12: memref<4000xf32, #tpu.memory_space<vmem>>, %arg13: memref<4000xf32, #tpu.memory_space<vmem>>, %arg14: memref<4000xf32, #tpu.memory_space<vmem>>, %arg15: memref<2000xf32, #tpu.memory_space<vmem>>, %arg16: memref<2000xf32, #tpu.memory_space<vmem>>, %arg17: memref<100000xf32, #tpu.memory_space<vmem_shared>>, %arg18: memref<100000xf32, #tpu.memory_space<vmem_shared>>, %arg19: memref<100000xf32, #tpu.memory_space<vmem_shared>>, %arg20: memref<!tpu.dma_semaphore, #tpu.memory_space<semaphore_mem>>, %arg21: memref<!tpu.dma_semaphore, #tpu.memory_space<semaphore_mem>>, %arg22: memref<!tpu.dma_semaphore, #tpu.memory_space<semaphore_mem>>, %arg23: memref<!tpu.dma_semaphore, #tpu.memory_space<semaphore_mem>>, %arg24: memref<!tpu.dma_semaphore, #tpu.memory_space<semaphore_mem>>, %arg25: memref<!tpu.dma_semaphore, #tpu.memory_space<semaphore_mem>>) attributes {dimension_semantics = [#tpu.dimension_semantics<core_parallel>, #tpu.dimension_semantics<subcore_parallel>], iteration_bounds = array<i64: 2, 16>, scalar_prefetch = 0 : i64, scratch_operands = 19 : i64, tpu.core_type = #tpu.core_type<sc_vector_subcore>, window_params = [{transform_indices = #map}, {transform_indices = #map}, {transform_indices = #map}, {transform_indices = #map}, {transform_indices = #map}]} {
    %mul3A = arith.constant 2 : i32
    %mul3A_0 = arith.muli %arg1, %mul3A : i32
    %add3A = arith.addi %mul3A_0, %arg0 : i32
    %mul3A_1 = arith.constant 50000 : i32
    %mul3A_2 = arith.muli %add3A, %mul3A_1 : i32
    %eq3A = arith.constant 0 : i32
    %eq3A_3 = arith.cmpi eq, %arg1, %eq3A : i32
    %convert_element_type3A = arith.extui %eq3A_3 : i1 to i32
    %cond3A = arith.constant 0 : i32
    %cond3A_4 = arith.cmpi ne, %convert_element_type3A, %cond3A : i32
    scf.if %cond3A_4 {
      "tpu.region"() ({
        %run_scoped3A = tpu.sem_alloc : memref<!tpu.dma_semaphore, #tpu.memory_space<semaphore_mem>>
        tpu.enqueue_dma source(%arg2 : memref<100000xf32, #tpu.memory_space<hbm>>) target(%arg17 : memref<100000xf32, #tpu.memory_space<vmem_shared>>) target_semaphore(%run_scoped3A : memref<!tpu.dma_semaphore, #tpu.memory_space<semaphore_mem>>)
        tpu.wait_dma2 semaphore(%run_scoped3A : memref<!tpu.dma_semaphore, #tpu.memory_space<semaphore_mem>>) src(%arg2 : memref<100000xf32, #tpu.memory_space<hbm>>) dst(%arg17 : memref<100000xf32, #tpu.memory_space<vmem_shared>>)
        tpu.yield
      }) : () -> ()
      "tpu.region"() ({
        %run_scoped3A = tpu.sem_alloc : memref<!tpu.dma_semaphore, #tpu.memory_space<semaphore_mem>>
        tpu.enqueue_dma source(%arg3 : memref<100000xf32, #tpu.memory_space<hbm>>) target(%arg18 : memref<100000xf32, #tpu.memory_space<vmem_shared>>) target_semaphore(%run_scoped3A : memref<!tpu.dma_semaphore, #tpu.memory_space<semaphore_mem>>)
        tpu.wait_dma2 semaphore(%run_scoped3A : memref<!tpu.dma_semaphore, #tpu.memory_space<semaphore_mem>>) src(%arg3 : memref<100000xf32, #tpu.memory_space<hbm>>) dst(%arg18 : memref<100000xf32, #tpu.memory_space<vmem_shared>>)
        tpu.yield
      }) : () -> ()
      "tpu.region"() ({
        %run_scoped3A = tpu.sem_alloc : memref<!tpu.dma_semaphore, #tpu.memory_space<semaphore_mem>>
        tpu.enqueue_dma source(%arg4 : memref<100000xf32, #tpu.memory_space<hbm>>) target(%arg19 : memref<100000xf32, #tpu.memory_space<vmem_shared>>) target_semaphore(%run_scoped3A : memref<!tpu.dma_semaphore, #tpu.memory_space<semaphore_mem>>)
        tpu.wait_dma2 semaphore(%run_scoped3A : memref<!tpu.dma_semaphore, #tpu.memory_space<semaphore_mem>>) src(%arg4 : memref<100000xf32, #tpu.memory_space<hbm>>) dst(%arg19 : memref<100000xf32, #tpu.memory_space<vmem_shared>>)
        tpu.yield
      }) : () -> ()
    } else {
    }
    %barrier3A = arith.constant 0 : index
    tpu.barrier barrier_id(%barrier3A)
    %add3A_5 = arith.constant 0 : i32
    %add3A_6 = arith.addi %mul3A_2, %add3A_5 : i32
    %dma_start3A = arith.constant 0 : i32
    %dma_start3A_7 = tpu.memref_slice %arg7[%dma_start3A] : memref<4000xi32, #tpu.memory_space<vmem>> -> memref<2000xi32, #tpu.memory_space<vmem>>
    %dma_start3A_8 = tpu.memref_slice %arg5[%add3A_6] : memref<3200000xi32, #tpu.memory_space<hbm>> -> memref<2000xi32, #tpu.memory_space<hbm>>
    %dma_start3A_9 = arith.constant 0 : i32
    %dma_start3A_10 = tpu.memref_slice %arg7[%dma_start3A_9] : memref<4000xi32, #tpu.memory_space<vmem>> -> memref<2000xi32, #tpu.memory_space<vmem>>
    %dma_start3A_11 = tpu.memref_slice %arg5[%add3A_6] : memref<3200000xi32, #tpu.memory_space<hbm>> -> memref<2000xi32, #tpu.memory_space<hbm>>
    tpu.enqueue_dma source(%dma_start3A_11 : memref<2000xi32, #tpu.memory_space<hbm>>) target(%dma_start3A_10 : memref<2000xi32, #tpu.memory_space<vmem>>) target_semaphore(%arg20 : memref<!tpu.dma_semaphore, #tpu.memory_space<semaphore_mem>>)
    %add3A_12 = arith.constant 1600000 : i32
    %add3A_13 = arith.addi %add3A_12, %add3A_6 : i32
    %dma_start3A_14 = arith.constant 2000 : i32
    %dma_start3A_15 = tpu.memref_slice %arg7[%dma_start3A_14] : memref<4000xi32, #tpu.memory_space<vmem>> -> memref<2000xi32, #tpu.memory_space<vmem>>
    %dma_start3A_16 = tpu.memref_slice %arg5[%add3A_13] : memref<3200000xi32, #tpu.memory_space<hbm>> -> memref<2000xi32, #tpu.memory_space<hbm>>
    %dma_start3A_17 = arith.constant 2000 : i32
    %dma_start3A_18 = tpu.memref_slice %arg7[%dma_start3A_17] : memref<4000xi32, #tpu.memory_space<vmem>> -> memref<2000xi32, #tpu.memory_space<vmem>>
    %dma_start3A_19 = tpu.memref_slice %arg5[%add3A_13] : memref<3200000xi32, #tpu.memory_space<hbm>> -> memref<2000xi32, #tpu.memory_space<hbm>>
    tpu.enqueue_dma source(%dma_start3A_19 : memref<2000xi32, #tpu.memory_space<hbm>>) target(%dma_start3A_18 : memref<2000xi32, #tpu.memory_space<vmem>>) target_semaphore(%arg20 : memref<!tpu.dma_semaphore, #tpu.memory_space<semaphore_mem>>)
    %dma_wait3A = arith.constant 0 : i32
    %dma_wait3A_20 = tpu.memref_slice %arg7[%dma_wait3A] : memref<4000xi32, #tpu.memory_space<vmem>> -> memref<2000xi32, #tpu.memory_space<vmem>>
    %dma_wait3A_21 = tpu.memref_slice %arg5[%mul3A_2] : memref<3200000xi32, #tpu.memory_space<hbm>> -> memref<2000xi32, #tpu.memory_space<hbm>>
    %dma_wait3A_22 = arith.constant 0 : i32
    %dma_wait3A_23 = tpu.memref_slice %arg7[%dma_wait3A_22] : memref<4000xi32, #tpu.memory_space<vmem>> -> memref<2000xi32, #tpu.memory_space<vmem>>
    %dma_wait3A_24 = tpu.memref_slice %arg5[%mul3A_2] : memref<3200000xi32, #tpu.memory_space<hbm>> -> memref<2000xi32, #tpu.memory_space<hbm>>
    tpu.wait_dma2 semaphore(%arg20 : memref<!tpu.dma_semaphore, #tpu.memory_space<semaphore_mem>>) src(%dma_wait3A_24 : memref<2000xi32, #tpu.memory_space<hbm>>) dst(%dma_wait3A_23 : memref<2000xi32, #tpu.memory_space<vmem>>)
    %add3A_25 = arith.constant 1600000 : i32
    %add3A_26 = arith.addi %add3A_25, %mul3A_2 : i32
    %dma_wait3A_27 = arith.constant 2000 : i32
    %dma_wait3A_28 = tpu.memref_slice %arg7[%dma_wait3A_27] : memref<4000xi32, #tpu.memory_space<vmem>> -> memref<2000xi32, #tpu.memory_space<vmem>>
    %dma_wait3A_29 = tpu.memref_slice %arg5[%add3A_26] : memref<3200000xi32, #tpu.memory_space<hbm>> -> memref<2000xi32, #tpu.memory_space<hbm>>
    %dma_wait3A_30 = arith.constant 2000 : i32
    %dma_wait3A_31 = tpu.memref_slice %arg7[%dma_wait3A_30] : memref<4000xi32, #tpu.memory_space<vmem>> -> memref<2000xi32, #tpu.memory_space<vmem>>
    %dma_wait3A_32 = tpu.memref_slice %arg5[%add3A_26] : memref<3200000xi32, #tpu.memory_space<hbm>> -> memref<2000xi32, #tpu.memory_space<hbm>>
    tpu.wait_dma2 semaphore(%arg20 : memref<!tpu.dma_semaphore, #tpu.memory_space<semaphore_mem>>) src(%dma_wait3A_32 : memref<2000xi32, #tpu.memory_space<hbm>>) dst(%dma_wait3A_31 : memref<2000xi32, #tpu.memory_space<vmem>>)
    %dma_start3A_33 = arith.constant 0 : i32
    %dma_start3A_34 = tpu.memref_slice %arg9[%dma_start3A_33] : memref<4000xf32, #tpu.memory_space<vmem>> -> memref<2000xf32, #tpu.memory_space<vmem>>
    %dma_start3A_35 = arith.constant 0 : i32
    %dma_start3A_36 = tpu.memref_slice %arg7[%dma_start3A_35] : memref<4000xi32, #tpu.memory_space<vmem>> -> memref<2000xi32, #tpu.memory_space<vmem>>
    %dma_start3A_37 = arith.constant 0 : i32
    %dma_start3A_38 = tpu.memref_slice %arg17[%dma_start3A_37] : memref<100000xf32, #tpu.memory_space<vmem_shared>> -> memref<100000xf32, #tpu.memory_space<vmem_shared>>
    tpu.enqueue_indirect_dma source(%dma_start3A_38 : memref<100000xf32, #tpu.memory_space<vmem_shared>>) target(%dma_start3A_34 : memref<2000xf32, #tpu.memory_space<vmem>>) offsets(%dma_start3A_36 : memref<2000xi32, #tpu.memory_space<vmem>>) semaphore(%arg22 : memref<!tpu.dma_semaphore, #tpu.memory_space<semaphore_mem>>)
    %dma_start3A_39 = arith.constant 2000 : i32
    %dma_start3A_40 = tpu.memref_slice %arg9[%dma_start3A_39] : memref<4000xf32, #tpu.memory_space<vmem>> -> memref<2000xf32, #tpu.memory_space<vmem>>
    %dma_start3A_41 = arith.constant 2000 : i32
    %dma_start3A_42 = tpu.memref_slice %arg7[%dma_start3A_41] : memref<4000xi32, #tpu.memory_space<vmem>> -> memref<2000xi32, #tpu.memory_space<vmem>>
    %dma_start3A_43 = arith.constant 0 : i32
    %dma_start3A_44 = tpu.memref_slice %arg17[%dma_start3A_43] : memref<100000xf32, #tpu.memory_space<vmem_shared>> -> memref<100000xf32, #tpu.memory_space<vmem_shared>>
    tpu.enqueue_indirect_dma source(%dma_start3A_44 : memref<100000xf32, #tpu.memory_space<vmem_shared>>) target(%dma_start3A_40 : memref<2000xf32, #tpu.memory_space<vmem>>) offsets(%dma_start3A_42 : memref<2000xi32, #tpu.memory_space<vmem>>) semaphore(%arg22 : memref<!tpu.dma_semaphore, #tpu.memory_space<semaphore_mem>>)
    %dma_start3A_45 = arith.constant 0 : i32
    %dma_start3A_46 = tpu.memref_slice %arg10[%dma_start3A_45] : memref<4000xf32, #tpu.memory_space<vmem>> -> memref<2000xf32, #tpu.memory_space<vmem>>
    %dma_start3A_47 = arith.constant 0 : i32
    %dma_start3A_48 = tpu.memref_slice %arg7[%dma_start3A_47] : memref<4000xi32, #tpu.memory_space<vmem>> -> memref<2000xi32, #tpu.memory_space<vmem>>
    %dma_start3A_49 = arith.constant 0 : i32
    %dma_start3A_50 = tpu.memref_slice %arg18[%dma_start3A_49] : memref<100000xf32, #tpu.memory_space<vmem_shared>> -> memref<100000xf32, #tpu.memory_space<vmem_shared>>
    tpu.enqueue_indirect_dma source(%dma_start3A_50 : memref<100000xf32, #tpu.memory_space<vmem_shared>>) target(%dma_start3A_46 : memref<2000xf32, #tpu.memory_space<vmem>>) offsets(%dma_start3A_48 : memref<2000xi32, #tpu.memory_space<vmem>>) semaphore(%arg22 : memref<!tpu.dma_semaphore, #tpu.memory_space<semaphore_mem>>)
    %dma_start3A_51 = arith.constant 2000 : i32
    %dma_start3A_52 = tpu.memref_slice %arg10[%dma_start3A_51] : memref<4000xf32, #tpu.memory_space<vmem>> -> memref<2000xf32, #tpu.memory_space<vmem>>
    %dma_start3A_53 = arith.constant 2000 : i32
    %dma_start3A_54 = tpu.memref_slice %arg7[%dma_start3A_53] : memref<4000xi32, #tpu.memory_space<vmem>> -> memref<2000xi32, #tpu.memory_space<vmem>>
    %dma_start3A_55 = arith.constant 0 : i32
    %dma_start3A_56 = tpu.memref_slice %arg18[%dma_start3A_55] : memref<100000xf32, #tpu.memory_space<vmem_shared>> -> memref<100000xf32, #tpu.memory_space<vmem_shared>>
    tpu.enqueue_indirect_dma source(%dma_start3A_56 : memref<100000xf32, #tpu.memory_space<vmem_shared>>) target(%dma_start3A_52 : memref<2000xf32, #tpu.memory_space<vmem>>) offsets(%dma_start3A_54 : memref<2000xi32, #tpu.memory_space<vmem>>) semaphore(%arg22 : memref<!tpu.dma_semaphore, #tpu.memory_space<semaphore_mem>>)
    %dma_start3A_57 = arith.constant 0 : i32
    %dma_start3A_58 = tpu.memref_slice %arg11[%dma_start3A_57] : memref<4000xf32, #tpu.memory_space<vmem>> -> memref<2000xf32, #tpu.memory_space<vmem>>
    %dma_start3A_59 = arith.constant 0 : i32
    %dma_start3A_60 = tpu.memref_slice %arg7[%dma_start3A_59] : memref<4000xi32, #tpu.memory_space<vmem>> -> memref<2000xi32, #tpu.memory_space<vmem>>
    %dma_start3A_61 = arith.constant 0 : i32
    %dma_start3A_62 = tpu.memref_slice %arg19[%dma_start3A_61] : memref<100000xf32, #tpu.memory_space<vmem_shared>> -> memref<100000xf32, #tpu.memory_space<vmem_shared>>
    tpu.enqueue_indirect_dma source(%dma_start3A_62 : memref<100000xf32, #tpu.memory_space<vmem_shared>>) target(%dma_start3A_58 : memref<2000xf32, #tpu.memory_space<vmem>>) offsets(%dma_start3A_60 : memref<2000xi32, #tpu.memory_space<vmem>>) semaphore(%arg22 : memref<!tpu.dma_semaphore, #tpu.memory_space<semaphore_mem>>)
    %dma_start3A_63 = arith.constant 2000 : i32
    %dma_start3A_64 = tpu.memref_slice %arg11[%dma_start3A_63] : memref<4000xf32, #tpu.memory_space<vmem>> -> memref<2000xf32, #tpu.memory_space<vmem>>
    %dma_start3A_65 = arith.constant 2000 : i32
    %dma_start3A_66 = tpu.memref_slice %arg7[%dma_start3A_65] : memref<4000xi32, #tpu.memory_space<vmem>> -> memref<2000xi32, #tpu.memory_space<vmem>>
    %dma_start3A_67 = arith.constant 0 : i32
    %dma_start3A_68 = tpu.memref_slice %arg19[%dma_start3A_67] : memref<100000xf32, #tpu.memory_space<vmem_shared>> -> memref<100000xf32, #tpu.memory_space<vmem_shared>>
    tpu.enqueue_indirect_dma source(%dma_start3A_68 : memref<100000xf32, #tpu.memory_space<vmem_shared>>) target(%dma_start3A_64 : memref<2000xf32, #tpu.memory_space<vmem>>) offsets(%dma_start3A_66 : memref<2000xi32, #tpu.memory_space<vmem>>) semaphore(%arg22 : memref<!tpu.dma_semaphore, #tpu.memory_space<semaphore_mem>>)
    %add3A_69 = arith.constant 2000 : i32
    %add3A_70 = arith.addi %mul3A_2, %add3A_69 : i32
    %dma_start3A_71 = arith.constant 0 : i32
    %dma_start3A_72 = tpu.memref_slice %arg8[%dma_start3A_71] : memref<4000xi32, #tpu.memory_space<vmem>> -> memref<2000xi32, #tpu.memory_space<vmem>>
    %dma_start3A_73 = tpu.memref_slice %arg5[%add3A_70] : memref<3200000xi32, #tpu.memory_space<hbm>> -> memref<2000xi32, #tpu.memory_space<hbm>>
    %dma_start3A_74 = arith.constant 0 : i32
    %dma_start3A_75 = tpu.memref_slice %arg8[%dma_start3A_74] : memref<4000xi32, #tpu.memory_space<vmem>> -> memref<2000xi32, #tpu.memory_space<vmem>>
    %dma_start3A_76 = tpu.memref_slice %arg5[%add3A_70] : memref<3200000xi32, #tpu.memory_space<hbm>> -> memref<2000xi32, #tpu.memory_space<hbm>>
    tpu.enqueue_dma source(%dma_start3A_76 : memref<2000xi32, #tpu.memory_space<hbm>>) target(%dma_start3A_75 : memref<2000xi32, #tpu.memory_space<vmem>>) target_semaphore(%arg21 : memref<!tpu.dma_semaphore, #tpu.memory_space<semaphore_mem>>)
    %add3A_77 = arith.constant 1600000 : i32
    %add3A_78 = arith.addi %add3A_77, %add3A_70 : i32
    %dma_start3A_79 = arith.constant 2000 : i32
    %dma_start3A_80 = tpu.memref_slice %arg8[%dma_start3A_79] : memref<4000xi32, #tpu.memory_space<vmem>> -> memref<2000xi32, #tpu.memory_space<vmem>>
    %dma_start3A_81 = tpu.memref_slice %arg5[%add3A_78] : memref<3200000xi32, #tpu.memory_space<hbm>> -> memref<2000xi32, #tpu.memory_space<hbm>>
    %dma_start3A_82 = arith.constant 2000 : i32
    %dma_start3A_83 = tpu.memref_slice %arg8[%dma_start3A_82] : memref<4000xi32, #tpu.memory_space<vmem>> -> memref<2000xi32, #tpu.memory_space<vmem>>
    %dma_start3A_84 = tpu.memref_slice %arg5[%add3A_78] : memref<3200000xi32, #tpu.memory_space<hbm>> -> memref<2000xi32, #tpu.memory_space<hbm>>
    tpu.enqueue_dma source(%dma_start3A_84 : memref<2000xi32, #tpu.memory_space<hbm>>) target(%dma_start3A_83 : memref<2000xi32, #tpu.memory_space<vmem>>) target_semaphore(%arg21 : memref<!tpu.dma_semaphore, #tpu.memory_space<semaphore_mem>>)
    %scan3A = arith.constant 0 : i32
    %scan3A_85 = arith.constant 0 : i32
    %scan3A_86 = arith.constant 12 : i32
    %scan3A_87 = arith.addi %scan3A_85, %scan3A_86 : i32
    %scan3A_88 = arith.constant 1 : i32
    %scan3A_89 = scf.for %scan3A_150 = %scan3A_85 to %scan3A_87 step %scan3A_88 iter_args(%scan3A_151 = %scan3A) -> (i32)  : i32 {
      %mul3A_152 = arith.constant 2 : i32
      %mul3A_153 = arith.muli %mul3A_152, %scan3A_150 : i32
      %add3A_154 = arith.constant 0 : i32
      %add3A_155 = arith.addi %mul3A_153, %add3A_154 : i32
      %dma_wait3A_156 = arith.constant 0 : i32
      %dma_wait3A_157 = tpu.memref_slice %arg9[%dma_wait3A_156] : memref<4000xf32, #tpu.memory_space<vmem>> -> memref<2000xf32, #tpu.memory_space<vmem>>
      %dma_wait3A_158 = arith.constant 0 : i32
      %dma_wait3A_159 = tpu.memref_slice %arg7[%dma_wait3A_158] : memref<4000xi32, #tpu.memory_space<vmem>> -> memref<2000xi32, #tpu.memory_space<vmem>>
      %dma_wait3A_160 = arith.constant 0 : i32
      %dma_wait3A_161 = tpu.memref_slice %arg17[%dma_wait3A_160] : memref<100000xf32, #tpu.memory_space<vmem_shared>> -> memref<100000xf32, #tpu.memory_space<vmem_shared>>
      tpu.wait_indirect_dma semaphore(%arg22 : memref<!tpu.dma_semaphore, #tpu.memory_space<semaphore_mem>>) src(%dma_wait3A_161 : memref<100000xf32, #tpu.memory_space<vmem_shared>>) dst(%dma_wait3A_157 : memref<2000xf32, #tpu.memory_space<vmem>>)
      %dma_wait3A_162 = arith.constant 2000 : i32
      %dma_wait3A_163 = tpu.memref_slice %arg9[%dma_wait3A_162] : memref<4000xf32, #tpu.memory_space<vmem>> -> memref<2000xf32, #tpu.memory_space<vmem>>
      %dma_wait3A_164 = arith.constant 2000 : i32
      %dma_wait3A_165 = tpu.memref_slice %arg7[%dma_wait3A_164] : memref<4000xi32, #tpu.memory_space<vmem>> -> memref<2000xi32, #tpu.memory_space<vmem>>
      %dma_wait3A_166 = arith.constant 0 : i32
      %dma_wait3A_167 = tpu.memref_slice %arg17[%dma_wait3A_166] : memref<100000xf32, #tpu.memory_space<vmem_shared>> -> memref<100000xf32, #tpu.memory_space<vmem_shared>>
      tpu.wait_indirect_dma semaphore(%arg22 : memref<!tpu.dma_semaphore, #tpu.memory_space<semaphore_mem>>) src(%dma_wait3A_167 : memref<100000xf32, #tpu.memory_space<vmem_shared>>) dst(%dma_wait3A_163 : memref<2000xf32, #tpu.memory_space<vmem>>)
      %dma_wait3A_168 = arith.constant 0 : i32
      %dma_wait3A_169 = tpu.memref_slice %arg10[%dma_wait3A_168] : memref<4000xf32, #tpu.memory_space<vmem>> -> memref<2000xf32, #tpu.memory_space<vmem>>
      %dma_wait3A_170 = arith.constant 0 : i32
      %dma_wait3A_171 = tpu.memref_slice %arg7[%dma_wait3A_170] : memref<4000xi32, #tpu.memory_space<vmem>> -> memref<2000xi32, #tpu.memory_space<vmem>>
      %dma_wait3A_172 = arith.constant 0 : i32
      %dma_wait3A_173 = tpu.memref_slice %arg18[%dma_wait3A_172] : memref<100000xf32, #tpu.memory_space<vmem_shared>> -> memref<100000xf32, #tpu.memory_space<vmem_shared>>
      tpu.wait_indirect_dma semaphore(%arg22 : memref<!tpu.dma_semaphore, #tpu.memory_space<semaphore_mem>>) src(%dma_wait3A_173 : memref<100000xf32, #tpu.memory_space<vmem_shared>>) dst(%dma_wait3A_169 : memref<2000xf32, #tpu.memory_space<vmem>>)
      %dma_wait3A_174 = arith.constant 2000 : i32
      %dma_wait3A_175 = tpu.memref_slice %arg10[%dma_wait3A_174] : memref<4000xf32, #tpu.memory_space<vmem>> -> memref<2000xf32, #tpu.memory_space<vmem>>
      %dma_wait3A_176 = arith.constant 2000 : i32
      %dma_wait3A_177 = tpu.memref_slice %arg7[%dma_wait3A_176] : memref<4000xi32, #tpu.memory_space<vmem>> -> memref<2000xi32, #tpu.memory_space<vmem>>
      %dma_wait3A_178 = arith.constant 0 : i32
      %dma_wait3A_179 = tpu.memref_slice %arg18[%dma_wait3A_178] : memref<100000xf32, #tpu.memory_space<vmem_shared>> -> memref<100000xf32, #tpu.memory_space<vmem_shared>>
      tpu.wait_indirect_dma semaphore(%arg22 : memref<!tpu.dma_semaphore, #tpu.memory_space<semaphore_mem>>) src(%dma_wait3A_179 : memref<100000xf32, #tpu.memory_space<vmem_shared>>) dst(%dma_wait3A_175 : memref<2000xf32, #tpu.memory_space<vmem>>)
      %dma_wait3A_180 = arith.constant 0 : i32
      %dma_wait3A_181 = tpu.memref_slice %arg11[%dma_wait3A_180] : memref<4000xf32, #tpu.memory_space<vmem>> -> memref<2000xf32, #tpu.memory_space<vmem>>
      %dma_wait3A_182 = arith.constant 0 : i32
      %dma_wait3A_183 = tpu.memref_slice %arg7[%dma_wait3A_182] : memref<4000xi32, #tpu.memory_space<vmem>> -> memref<2000xi32, #tpu.memory_space<vmem>>
      %dma_wait3A_184 = arith.constant 0 : i32
      %dma_wait3A_185 = tpu.memref_slice %arg19[%dma_wait3A_184] : memref<100000xf32, #tpu.memory_space<vmem_shared>> -> memref<100000xf32, #tpu.memory_space<vmem_shared>>
      tpu.wait_indirect_dma semaphore(%arg22 : memref<!tpu.dma_semaphore, #tpu.memory_space<semaphore_mem>>) src(%dma_wait3A_185 : memref<100000xf32, #tpu.memory_space<vmem_shared>>) dst(%dma_wait3A_181 : memref<2000xf32, #tpu.memory_space<vmem>>)
      %dma_wait3A_186 = arith.constant 2000 : i32
      %dma_wait3A_187 = tpu.memref_slice %arg11[%dma_wait3A_186] : memref<4000xf32, #tpu.memory_space<vmem>> -> memref<2000xf32, #tpu.memory_space<vmem>>
      %dma_wait3A_188 = arith.constant 2000 : i32
      %dma_wait3A_189 = tpu.memref_slice %arg7[%dma_wait3A_188] : memref<4000xi32, #tpu.memory_space<vmem>> -> memref<2000xi32, #tpu.memory_space<vmem>>
      %dma_wait3A_190 = arith.constant 0 : i32
      %dma_wait3A_191 = tpu.memref_slice %arg19[%dma_wait3A_190] : memref<100000xf32, #tpu.memory_space<vmem_shared>> -> memref<100000xf32, #tpu.memory_space<vmem_shared>>
      tpu.wait_indirect_dma semaphore(%arg22 : memref<!tpu.dma_semaphore, #tpu.memory_space<semaphore_mem>>) src(%dma_wait3A_191 : memref<100000xf32, #tpu.memory_space<vmem_shared>>) dst(%dma_wait3A_187 : memref<2000xf32, #tpu.memory_space<vmem>>)
      %add3A_192 = arith.constant 2 : i32
      %add3A_193 = arith.addi %add3A_155, %add3A_192 : i32
      %lt3A = arith.constant 25 : i32
      %lt3A_194 = arith.cmpi slt, %add3A_193, %lt3A : i32
      %convert_element_type3A_195 = arith.extui %lt3A_194 : i1 to i32
      %cond3A_196 = arith.constant 0 : i32
      %cond3A_197 = arith.cmpi ne, %convert_element_type3A_195, %cond3A_196 : i32
      scf.if %cond3A_197 {
        %add3A_293 = arith.constant 2 : i32
        %add3A_294 = arith.addi %add3A_155, %add3A_293 : i32
        %mul3A_295 = arith.constant 2000 : i32
        %mul3A_296 = arith.muli %add3A_294, %mul3A_295 : i32
        %add3A_297 = arith.addi %mul3A_2, %mul3A_296 : i32
        %dma_start3A_298 = arith.constant 0 : i32
        %dma_start3A_299 = tpu.memref_slice %arg7[%dma_start3A_298] : memref<4000xi32, #tpu.memory_space<vmem>> -> memref<2000xi32, #tpu.memory_space<vmem>>
        %dma_start3A_300 = tpu.memref_slice %arg5[%add3A_297] : memref<3200000xi32, #tpu.memory_space<hbm>> -> memref<2000xi32, #tpu.memory_space<hbm>>
        %dma_start3A_301 = arith.constant 0 : i32
        %dma_start3A_302 = tpu.memref_slice %arg7[%dma_start3A_301] : memref<4000xi32, #tpu.memory_space<vmem>> -> memref<2000xi32, #tpu.memory_space<vmem>>
        %dma_start3A_303 = tpu.memref_slice %arg5[%add3A_297] : memref<3200000xi32, #tpu.memory_space<hbm>> -> memref<2000xi32, #tpu.memory_space<hbm>>
        tpu.enqueue_dma source(%dma_start3A_303 : memref<2000xi32, #tpu.memory_space<hbm>>) target(%dma_start3A_302 : memref<2000xi32, #tpu.memory_space<vmem>>) target_semaphore(%arg20 : memref<!tpu.dma_semaphore, #tpu.memory_space<semaphore_mem>>)
        %add3A_304 = arith.constant 1600000 : i32
        %add3A_305 = arith.addi %add3A_304, %add3A_297 : i32
        %dma_start3A_306 = arith.constant 2000 : i32
        %dma_start3A_307 = tpu.memref_slice %arg7[%dma_start3A_306] : memref<4000xi32, #tpu.memory_space<vmem>> -> memref<2000xi32, #tpu.memory_space<vmem>>
        %dma_start3A_308 = tpu.memref_slice %arg5[%add3A_305] : memref<3200000xi32, #tpu.memory_space<hbm>> -> memref<2000xi32, #tpu.memory_space<hbm>>
        %dma_start3A_309 = arith.constant 2000 : i32
        %dma_start3A_310 = tpu.memref_slice %arg7[%dma_start3A_309] : memref<4000xi32, #tpu.memory_space<vmem>> -> memref<2000xi32, #tpu.memory_space<vmem>>
        %dma_start3A_311 = tpu.memref_slice %arg5[%add3A_305] : memref<3200000xi32, #tpu.memory_space<hbm>> -> memref<2000xi32, #tpu.memory_space<hbm>>
        tpu.enqueue_dma source(%dma_start3A_311 : memref<2000xi32, #tpu.memory_space<hbm>>) target(%dma_start3A_310 : memref<2000xi32, #tpu.memory_space<vmem>>) target_semaphore(%arg20 : memref<!tpu.dma_semaphore, #tpu.memory_space<semaphore_mem>>)
      } else {
      }
      %add3A_198 = arith.constant 1 : i32
      %add3A_199 = arith.addi %add3A_155, %add3A_198 : i32
      %lt3A_200 = arith.constant 25 : i32
      %lt3A_201 = arith.cmpi slt, %add3A_199, %lt3A_200 : i32
      %convert_element_type3A_202 = arith.extui %lt3A_201 : i1 to i32
      %cond3A_203 = arith.constant 0 : i32
      %cond3A_204 = arith.cmpi ne, %convert_element_type3A_202, %cond3A_203 : i32
      scf.if %cond3A_204 {
        %dma_wait3A_293 = arith.constant 0 : i32
        %dma_wait3A_294 = tpu.memref_slice %arg8[%dma_wait3A_293] : memref<4000xi32, #tpu.memory_space<vmem>> -> memref<2000xi32, #tpu.memory_space<vmem>>
        %dma_wait3A_295 = tpu.memref_slice %arg5[%mul3A_2] : memref<3200000xi32, #tpu.memory_space<hbm>> -> memref<2000xi32, #tpu.memory_space<hbm>>
        %dma_wait3A_296 = arith.constant 0 : i32
        %dma_wait3A_297 = tpu.memref_slice %arg8[%dma_wait3A_296] : memref<4000xi32, #tpu.memory_space<vmem>> -> memref<2000xi32, #tpu.memory_space<vmem>>
        %dma_wait3A_298 = tpu.memref_slice %arg5[%mul3A_2] : memref<3200000xi32, #tpu.memory_space<hbm>> -> memref<2000xi32, #tpu.memory_space<hbm>>
        tpu.wait_dma2 semaphore(%arg21 : memref<!tpu.dma_semaphore, #tpu.memory_space<semaphore_mem>>) src(%dma_wait3A_298 : memref<2000xi32, #tpu.memory_space<hbm>>) dst(%dma_wait3A_297 : memref<2000xi32, #tpu.memory_space<vmem>>)
        %add3A_299 = arith.constant 1600000 : i32
        %add3A_300 = arith.addi %add3A_299, %mul3A_2 : i32
        %dma_wait3A_301 = arith.constant 2000 : i32
        %dma_wait3A_302 = tpu.memref_slice %arg8[%dma_wait3A_301] : memref<4000xi32, #tpu.memory_space<vmem>> -> memref<2000xi32, #tpu.memory_space<vmem>>
        %dma_wait3A_303 = tpu.memref_slice %arg5[%add3A_300] : memref<3200000xi32, #tpu.memory_space<hbm>> -> memref<2000xi32, #tpu.memory_space<hbm>>
        %dma_wait3A_304 = arith.constant 2000 : i32
        %dma_wait3A_305 = tpu.memref_slice %arg8[%dma_wait3A_304] : memref<4000xi32, #tpu.memory_space<vmem>> -> memref<2000xi32, #tpu.memory_space<vmem>>
        %dma_wait3A_306 = tpu.memref_slice %arg5[%add3A_300] : memref<3200000xi32, #tpu.memory_space<hbm>> -> memref<2000xi32, #tpu.memory_space<hbm>>
        tpu.wait_dma2 semaphore(%arg21 : memref<!tpu.dma_semaphore, #tpu.memory_space<semaphore_mem>>) src(%dma_wait3A_306 : memref<2000xi32, #tpu.memory_space<hbm>>) dst(%dma_wait3A_305 : memref<2000xi32, #tpu.memory_space<vmem>>)
        %dma_start3A_307 = arith.constant 0 : i32
        %dma_start3A_308 = tpu.memref_slice %arg12[%dma_start3A_307] : memref<4000xf32, #tpu.memory_space<vmem>> -> memref<2000xf32, #tpu.memory_space<vmem>>
        %dma_start3A_309 = arith.constant 0 : i32
        %dma_start3A_310 = tpu.memref_slice %arg8[%dma_start3A_309] : memref<4000xi32, #tpu.memory_space<vmem>> -> memref<2000xi32, #tpu.memory_space<vmem>>
        %dma_start3A_311 = arith.constant 0 : i32
        %dma_start3A_312 = tpu.memref_slice %arg17[%dma_start3A_311] : memref<100000xf32, #tpu.memory_space<vmem_shared>> -> memref<100000xf32, #tpu.memory_space<vmem_shared>>
        tpu.enqueue_indirect_dma source(%dma_start3A_312 : memref<100000xf32, #tpu.memory_space<vmem_shared>>) target(%dma_start3A_308 : memref<2000xf32, #tpu.memory_space<vmem>>) offsets(%dma_start3A_310 : memref<2000xi32, #tpu.memory_space<vmem>>) semaphore(%arg23 : memref<!tpu.dma_semaphore, #tpu.memory_space<semaphore_mem>>)
        %dma_start3A_313 = arith.constant 2000 : i32
        %dma_start3A_314 = tpu.memref_slice %arg12[%dma_start3A_313] : memref<4000xf32, #tpu.memory_space<vmem>> -> memref<2000xf32, #tpu.memory_space<vmem>>
        %dma_start3A_315 = arith.constant 2000 : i32
        %dma_start3A_316 = tpu.memref_slice %arg8[%dma_start3A_315] : memref<4000xi32, #tpu.memory_space<vmem>> -> memref<2000xi32, #tpu.memory_space<vmem>>
        %dma_start3A_317 = arith.constant 0 : i32
        %dma_start3A_318 = tpu.memref_slice %arg17[%dma_start3A_317] : memref<100000xf32, #tpu.memory_space<vmem_shared>> -> memref<100000xf32, #tpu.memory_space<vmem_shared>>
        tpu.enqueue_indirect_dma source(%dma_start3A_318 : memref<100000xf32, #tpu.memory_space<vmem_shared>>) target(%dma_start3A_314 : memref<2000xf32, #tpu.memory_space<vmem>>) offsets(%dma_start3A_316 : memref<2000xi32, #tpu.memory_space<vmem>>) semaphore(%arg23 : memref<!tpu.dma_semaphore, #tpu.memory_space<semaphore_mem>>)
        %dma_start3A_319 = arith.constant 0 : i32
        %dma_start3A_320 = tpu.memref_slice %arg13[%dma_start3A_319] : memref<4000xf32, #tpu.memory_space<vmem>> -> memref<2000xf32, #tpu.memory_space<vmem>>
        %dma_start3A_321 = arith.constant 0 : i32
        %dma_start3A_322 = tpu.memref_slice %arg8[%dma_start3A_321] : memref<4000xi32, #tpu.memory_space<vmem>> -> memref<2000xi32, #tpu.memory_space<vmem>>
        %dma_start3A_323 = arith.constant 0 : i32
        %dma_start3A_324 = tpu.memref_slice %arg18[%dma_start3A_323] : memref<100000xf32, #tpu.memory_space<vmem_shared>> -> memref<100000xf32, #tpu.memory_space<vmem_shared>>
        tpu.enqueue_indirect_dma source(%dma_start3A_324 : memref<100000xf32, #tpu.memory_space<vmem_shared>>) target(%dma_start3A_320 : memref<2000xf32, #tpu.memory_space<vmem>>) offsets(%dma_start3A_322 : memref<2000xi32, #tpu.memory_space<vmem>>) semaphore(%arg23 : memref<!tpu.dma_semaphore, #tpu.memory_space<semaphore_mem>>)
        %dma_start3A_325 = arith.constant 2000 : i32
        %dma_start3A_326 = tpu.memref_slice %arg13[%dma_start3A_325] : memref<4000xf32, #tpu.memory_space<vmem>> -> memref<2000xf32, #tpu.memory_space<vmem>>
        %dma_start3A_327 = arith.constant 2000 : i32
        %dma_start3A_328 = tpu.memref_slice %arg8[%dma_start3A_327] : memref<4000xi32, #tpu.memory_space<vmem>> -> memref<2000xi32, #tpu.memory_space<vmem>>
        %dma_start3A_329 = arith.constant 0 : i32
        %dma_start3A_330 = tpu.memref_slice %arg18[%dma_start3A_329] : memref<100000xf32, #tpu.memory_space<vmem_shared>> -> memref<100000xf32, #tpu.memory_space<vmem_shared>>
        tpu.enqueue_indirect_dma source(%dma_start3A_330 : memref<100000xf32, #tpu.memory_space<vmem_shared>>) target(%dma_start3A_326 : memref<2000xf32, #tpu.memory_space<vmem>>) offsets(%dma_start3A_328 : memref<2000xi32, #tpu.memory_space<vmem>>) semaphore(%arg23 : memref<!tpu.dma_semaphore, #tpu.memory_space<semaphore_mem>>)
        %dma_start3A_331 = arith.constant 0 : i32
        %dma_start3A_332 = tpu.memref_slice %arg14[%dma_start3A_331] : memref<4000xf32, #tpu.memory_space<vmem>> -> memref<2000xf32, #tpu.memory_space<vmem>>
        %dma_start3A_333 = arith.constant 0 : i32
        %dma_start3A_334 = tpu.memref_slice %arg8[%dma_start3A_333] : memref<4000xi32, #tpu.memory_space<vmem>> -> memref<2000xi32, #tpu.memory_space<vmem>>
        %dma_start3A_335 = arith.constant 0 : i32
        %dma_start3A_336 = tpu.memref_slice %arg19[%dma_start3A_335] : memref<100000xf32, #tpu.memory_space<vmem_shared>> -> memref<100000xf32, #tpu.memory_space<vmem_shared>>
        tpu.enqueue_indirect_dma source(%dma_start3A_336 : memref<100000xf32, #tpu.memory_space<vmem_shared>>) target(%dma_start3A_332 : memref<2000xf32, #tpu.memory_space<vmem>>) offsets(%dma_start3A_334 : memref<2000xi32, #tpu.memory_space<vmem>>) semaphore(%arg23 : memref<!tpu.dma_semaphore, #tpu.memory_space<semaphore_mem>>)
        %dma_start3A_337 = arith.constant 2000 : i32
        %dma_start3A_338 = tpu.memref_slice %arg14[%dma_start3A_337] : memref<4000xf32, #tpu.memory_space<vmem>> -> memref<2000xf32, #tpu.memory_space<vmem>>
        %dma_start3A_339 = arith.constant 2000 : i32
        %dma_start3A_340 = tpu.memref_slice %arg8[%dma_start3A_339] : memref<4000xi32, #tpu.memory_space<vmem>> -> memref<2000xi32, #tpu.memory_space<vmem>>
        %dma_start3A_341 = arith.constant 0 : i32
        %dma_start3A_342 = tpu.memref_slice %arg19[%dma_start3A_341] : memref<100000xf32, #tpu.memory_space<vmem_shared>> -> memref<100000xf32, #tpu.memory_space<vmem_shared>>
        tpu.enqueue_indirect_dma source(%dma_start3A_342 : memref<100000xf32, #tpu.memory_space<vmem_shared>>) target(%dma_start3A_338 : memref<2000xf32, #tpu.memory_space<vmem>>) offsets(%dma_start3A_340 : memref<2000xi32, #tpu.memory_space<vmem>>) semaphore(%arg23 : memref<!tpu.dma_semaphore, #tpu.memory_space<semaphore_mem>>)
      } else {
      }
      %ge3A = arith.constant 2 : i32
      %ge3A_205 = arith.cmpi sge, %add3A_155, %ge3A : i32
      %convert_element_type3A_206 = arith.extui %ge3A_205 : i1 to i32
      %cond3A_207 = arith.constant 0 : i32
      %cond3A_208 = arith.cmpi ne, %convert_element_type3A_206, %cond3A_207 : i32
      scf.if %cond3A_208 {
        %sub3A = arith.constant 2 : i32
        %sub3A_293 = arith.subi %add3A_155, %sub3A : i32
        %mul3A_294 = arith.constant 2000 : i32
        %mul3A_295 = arith.muli %sub3A_293, %mul3A_294 : i32
        %add3A_296 = arith.addi %mul3A_2, %mul3A_295 : i32
        %dma_wait3A_297 = tpu.memref_slice %arg6[%add3A_296] : memref<1600000xf32, #tpu.memory_space<hbm>> -> memref<2000xf32, #tpu.memory_space<hbm>>
        %dma_wait3A_298 = tpu.memref_slice %arg6[%add3A_296] : memref<1600000xf32, #tpu.memory_space<hbm>> -> memref<2000xf32, #tpu.memory_space<hbm>>
        tpu.wait_dma2 semaphore(%arg24 : memref<!tpu.dma_semaphore, #tpu.memory_space<semaphore_mem>>) src(%arg15 : memref<2000xf32, #tpu.memory_space<vmem>>) dst(%dma_wait3A_298 : memref<2000xf32, #tpu.memory_space<hbm>>)
      } else {
      }
      %scan3A_209 = arith.constant 0 : i32
      %scan3A_210 = arith.constant 0 : i32
      %scan3A_211 = arith.constant 125 : i32
      %scan3A_212 = arith.addi %scan3A_210, %scan3A_211 : i32
      %scan3A_213 = arith.constant 1 : i32
      %scan3A_214 = scf.for %scan3A_293 = %scan3A_210 to %scan3A_212 step %scan3A_213 iter_args(%scan3A_294 = %scan3A_209) -> (i32)  : i32 {
        %mul3A_295 = arith.constant 16 : i32
        %mul3A_296 = arith.muli %scan3A_293, %mul3A_295 : i32
        %add3A_297 = arith.constant 2000 : i32
        %add3A_298 = arith.addi %add3A_297, %mul3A_296 : i32
        %get3A = arith.index_cast %mul3A_296 : i32 to index
        %get3A_299 = tpu.vector_load %arg9[%get3A] {strides = array<i32>} : memref<4000xf32, #tpu.memory_space<vmem>>, vector<16xf32>,
        %get3A_300 = vector.shape_cast %get3A_299 : vector<16xf32> to vector<16xf32>
        %get3A_301 = arith.index_cast %add3A_298 : i32 to index
        %get3A_302 = tpu.vector_load %arg9[%get3A_301] {strides = array<i32>} : memref<4000xf32, #tpu.memory_space<vmem>>, vector<16xf32>,
        %get3A_303 = vector.shape_cast %get3A_302 : vector<16xf32> to vector<16xf32>
        %sub3A = arith.subf %get3A_300, %get3A_303 : vector<16xf32>
        %get3A_304 = arith.index_cast %mul3A_296 : i32 to index
        %get3A_305 = tpu.vector_load %arg10[%get3A_304] {strides = array<i32>} : memref<4000xf32, #tpu.memory_space<vmem>>, vector<16xf32>,
        %get3A_306 = vector.shape_cast %get3A_305 : vector<16xf32> to vector<16xf32>
        %get3A_307 = arith.index_cast %add3A_298 : i32 to index
        %get3A_308 = tpu.vector_load %arg10[%get3A_307] {strides = array<i32>} : memref<4000xf32, #tpu.memory_space<vmem>>, vector<16xf32>,
        %get3A_309 = vector.shape_cast %get3A_308 : vector<16xf32> to vector<16xf32>
        %sub3A_310 = arith.subf %get3A_306, %get3A_309 : vector<16xf32>
        %get3A_311 = arith.index_cast %mul3A_296 : i32 to index
        %get3A_312 = tpu.vector_load %arg11[%get3A_311] {strides = array<i32>} : memref<4000xf32, #tpu.memory_space<vmem>>, vector<16xf32>,
        %get3A_313 = vector.shape_cast %get3A_312 : vector<16xf32> to vector<16xf32>
        %get3A_314 = arith.index_cast %add3A_298 : i32 to index
        %get3A_315 = tpu.vector_load %arg11[%get3A_314] {strides = array<i32>} : memref<4000xf32, #tpu.memory_space<vmem>>, vector<16xf32>,
        %get3A_316 = vector.shape_cast %get3A_315 : vector<16xf32> to vector<16xf32>
        %sub3A_317 = arith.subf %get3A_313, %get3A_316 : vector<16xf32>
        %mul3A_318 = arith.mulf %sub3A, %sub3A : vector<16xf32>
        %mul3A_319 = arith.mulf %sub3A_310, %sub3A_310 : vector<16xf32>
        %add3A_320 = arith.addf %mul3A_318, %mul3A_319 : vector<16xf32>
        %mul3A_321 = arith.mulf %sub3A_317, %sub3A_317 : vector<16xf32>
        %add3A_322 = arith.addf %add3A_320, %mul3A_321 : vector<16xf32>
        %swap3A = arith.index_cast %mul3A_296 : i32 to index
        %swap3A_323 = tpu.vector_load %arg15[%swap3A] {strides = array<i32>} : memref<2000xf32, #tpu.memory_space<vmem>>, vector<16xf32>,
        %swap3A_324 = vector.shape_cast %swap3A_323 : vector<16xf32> to vector<16xf32>
        %swap3A_325 = vector.shape_cast %add3A_322 : vector<16xf32> to vector<16xf32>
        tpu.vector_store %arg15[%swap3A], %swap3A_325 {strides = array<i32>} : memref<2000xf32, #tpu.memory_space<vmem>>, vector<16xf32>,
        %scan3A_326 = arith.constant 0 : i32
        scf.yield %scan3A_326 : i32
      }
      %scan3A_215 = arith.constant 125 : i32
      %mul3A_216 = arith.constant 2000 : i32
      %mul3A_217 = arith.muli %add3A_155, %mul3A_216 : i32
      %add3A_218 = arith.addi %mul3A_2, %mul3A_217 : i32
      %dma_start3A_219 = tpu.memref_slice %arg6[%add3A_218] : memref<1600000xf32, #tpu.memory_space<hbm>> -> memref<2000xf32, #tpu.memory_space<hbm>>
      %dma_start3A_220 = tpu.memref_slice %arg6[%add3A_218] : memref<1600000xf32, #tpu.memory_space<hbm>> -> memref<2000xf32, #tpu.memory_space<hbm>>
      tpu.enqueue_dma source(%arg15 : memref<2000xf32, #tpu.memory_space<vmem>>) target(%dma_start3A_220 : memref<2000xf32, #tpu.memory_space<hbm>>) target_semaphore(%arg24 : memref<!tpu.dma_semaphore, #tpu.memory_space<semaphore_mem>>)
      %mul3A_221 = arith.constant 2 : i32
      %mul3A_222 = arith.muli %mul3A_221, %scan3A_150 : i32
      %add3A_223 = arith.constant 1 : i32
      %add3A_224 = arith.addi %mul3A_222, %add3A_223 : i32
      %dma_wait3A_225 = arith.constant 0 : i32
      %dma_wait3A_226 = tpu.memref_slice %arg12[%dma_wait3A_225] : memref<4000xf32, #tpu.memory_space<vmem>> -> memref<2000xf32, #tpu.memory_space<vmem>>
      %dma_wait3A_227 = arith.constant 0 : i32
      %dma_wait3A_228 = tpu.memref_slice %arg8[%dma_wait3A_227] : memref<4000xi32, #tpu.memory_space<vmem>> -> memref<2000xi32, #tpu.memory_space<vmem>>
      %dma_wait3A_229 = arith.constant 0 : i32
      %dma_wait3A_230 = tpu.memref_slice %arg17[%dma_wait3A_229] : memref<100000xf32, #tpu.memory_space<vmem_shared>> -> memref<100000xf32, #tpu.memory_space<vmem_shared>>
      tpu.wait_indirect_dma semaphore(%arg23 : memref<!tpu.dma_semaphore, #tpu.memory_space<semaphore_mem>>) src(%dma_wait3A_230 : memref<100000xf32, #tpu.memory_space<vmem_shared>>) dst(%dma_wait3A_226 : memref<2000xf32, #tpu.memory_space<vmem>>)
      %dma_wait3A_231 = arith.constant 2000 : i32
      %dma_wait3A_232 = tpu.memref_slice %arg12[%dma_wait3A_231] : memref<4000xf32, #tpu.memory_space<vmem>> -> memref<2000xf32, #tpu.memory_space<vmem>>
      %dma_wait3A_233 = arith.constant 2000 : i32
      %dma_wait3A_234 = tpu.memref_slice %arg8[%dma_wait3A_233] : memref<4000xi32, #tpu.memory_space<vmem>> -> memref<2000xi32, #tpu.memory_space<vmem>>
      %dma_wait3A_235 = arith.constant 0 : i32
      %dma_wait3A_236 = tpu.memref_slice %arg17[%dma_wait3A_235] : memref<100000xf32, #tpu.memory_space<vmem_shared>> -> memref<100000xf32, #tpu.memory_space<vmem_shared>>
      tpu.wait_indirect_dma semaphore(%arg23 : memref<!tpu.dma_semaphore, #tpu.memory_space<semaphore_mem>>) src(%dma_wait3A_236 : memref<100000xf32, #tpu.memory_space<vmem_shared>>) dst(%dma_wait3A_232 : memref<2000xf32, #tpu.memory_space<vmem>>)
      %dma_wait3A_237 = arith.constant 0 : i32
      %dma_wait3A_238 = tpu.memref_slice %arg13[%dma_wait3A_237] : memref<4000xf32, #tpu.memory_space<vmem>> -> memref<2000xf32, #tpu.memory_space<vmem>>
      %dma_wait3A_239 = arith.constant 0 : i32
      %dma_wait3A_240 = tpu.memref_slice %arg8[%dma_wait3A_239] : memref<4000xi32, #tpu.memory_space<vmem>> -> memref<2000xi32, #tpu.memory_space<vmem>>
      %dma_wait3A_241 = arith.constant 0 : i32
      %dma_wait3A_242 = tpu.memref_slice %arg18[%dma_wait3A_241] : memref<100000xf32, #tpu.memory_space<vmem_shared>> -> memref<100000xf32, #tpu.memory_space<vmem_shared>>
      tpu.wait_indirect_dma semaphore(%arg23 : memref<!tpu.dma_semaphore, #tpu.memory_space<semaphore_mem>>) src(%dma_wait3A_242 : memref<100000xf32, #tpu.memory_space<vmem_shared>>) dst(%dma_wait3A_238 : memref<2000xf32, #tpu.memory_space<vmem>>)
      %dma_wait3A_243 = arith.constant 2000 : i32
      %dma_wait3A_244 = tpu.memref_slice %arg13[%dma_wait3A_243] : memref<4000xf32, #tpu.memory_space<vmem>> -> memref<2000xf32, #tpu.memory_space<vmem>>
      %dma_wait3A_245 = arith.constant 2000 : i32
      %dma_wait3A_246 = tpu.memref_slice %arg8[%dma_wait3A_245] : memref<4000xi32, #tpu.memory_space<vmem>> -> memref<2000xi32, #tpu.memory_space<vmem>>
      %dma_wait3A_247 = arith.constant 0 : i32
      %dma_wait3A_248 = tpu.memref_slice %arg18[%dma_wait3A_247] : memref<100000xf32, #tpu.memory_space<vmem_shared>> -> memref<100000xf32, #tpu.memory_space<vmem_shared>>
      tpu.wait_indirect_dma semaphore(%arg23 : memref<!tpu.dma_semaphore, #tpu.memory_space<semaphore_mem>>) src(%dma_wait3A_248 : memref<100000xf32, #tpu.memory_space<vmem_shared>>) dst(%dma_wait3A_244 : memref<2000xf32, #tpu.memory_space<vmem>>)
      %dma_wait3A_249 = arith.constant 0 : i32
      %dma_wait3A_250 = tpu.memref_slice %arg14[%dma_wait3A_249] : memref<4000xf32, #tpu.memory_space<vmem>> -> memref<2000xf32, #tpu.memory_space<vmem>>
      %dma_wait3A_251 = arith.constant 0 : i32
      %dma_wait3A_252 = tpu.memref_slice %arg8[%dma_wait3A_251] : memref<4000xi32, #tpu.memory_space<vmem>> -> memref<2000xi32, #tpu.memory_space<vmem>>
      %dma_wait3A_253 = arith.constant 0 : i32
      %dma_wait3A_254 = tpu.memref_slice %arg19[%dma_wait3A_253] : memref<100000xf32, #tpu.memory_space<vmem_shared>> -> memref<100000xf32, #tpu.memory_space<vmem_shared>>
      tpu.wait_indirect_dma semaphore(%arg23 : memref<!tpu.dma_semaphore, #tpu.memory_space<semaphore_mem>>) src(%dma_wait3A_254 : memref<100000xf32, #tpu.memory_space<vmem_shared>>) dst(%dma_wait3A_250 : memref<2000xf32, #tpu.memory_space<vmem>>)
      %dma_wait3A_255 = arith.constant 2000 : i32
      %dma_wait3A_256 = tpu.memref_slice %arg14[%dma_wait3A_255] : memref<4000xf32, #tpu.memory_space<vmem>> -> memref<2000xf32, #tpu.memory_space<vmem>>
      %dma_wait3A_257 = arith.constant 2000 : i32
      %dma_wait3A_258 = tpu.memref_slice %arg8[%dma_wait3A_257] : memref<4000xi32, #tpu.memory_space<vmem>> -> memref<2000xi32, #tpu.memory_space<vmem>>
      %dma_wait3A_259 = arith.constant 0 : i32
      %dma_wait3A_260 = tpu.memref_slice %arg19[%dma_wait3A_259] : memref<100000xf32, #tpu.memory_space<vmem_shared>> -> memref<100000xf32, #tpu.memory_space<vmem_shared>>
      tpu.wait_indirect_dma semaphore(%arg23 : memref<!tpu.dma_semaphore, #tpu.memory_space<semaphore_mem>>) src(%dma_wait3A_260 : memref<100000xf32, #tpu.memory_space<vmem_shared>>) dst(%dma_wait3A_256 : memref<2000xf32, #tpu.memory_space<vmem>>)
      %add3A_261 = arith.constant 2 : i32
      %add3A_262 = arith.addi %add3A_224, %add3A_261 : i32
      %lt3A_263 = arith.constant 25 : i32
      %lt3A_264 = arith.cmpi slt, %add3A_262, %lt3A_263 : i32
      %convert_element_type3A_265 = arith.extui %lt3A_264 : i1 to i32
      %cond3A_266 = arith.constant 0 : i32
      %cond3A_267 = arith.cmpi ne, %convert_element_type3A_265, %cond3A_266 : i32
      scf.if %cond3A_267 {
        %add3A_293 = arith.constant 2 : i32
        %add3A_294 = arith.addi %add3A_224, %add3A_293 : i32
        %mul3A_295 = arith.constant 2000 : i32
        %mul3A_296 = arith.muli %add3A_294, %mul3A_295 : i32
        %add3A_297 = arith.addi %mul3A_2, %mul3A_296 : i32
        %dma_start3A_298 = arith.constant 0 : i32
        %dma_start3A_299 = tpu.memref_slice %arg8[%dma_start3A_298] : memref<4000xi32, #tpu.memory_space<vmem>> -> memref<2000xi32, #tpu.memory_space<vmem>>
        %dma_start3A_300 = tpu.memref_slice %arg5[%add3A_297] : memref<3200000xi32, #tpu.memory_space<hbm>> -> memref<2000xi32, #tpu.memory_space<hbm>>
        %dma_start3A_301 = arith.constant 0 : i32
        %dma_start3A_302 = tpu.memref_slice %arg8[%dma_start3A_301] : memref<4000xi32, #tpu.memory_space<vmem>> -> memref<2000xi32, #tpu.memory_space<vmem>>
        %dma_start3A_303 = tpu.memref_slice %arg5[%add3A_297] : memref<3200000xi32, #tpu.memory_space<hbm>> -> memref<2000xi32, #tpu.memory_space<hbm>>
        tpu.enqueue_dma source(%dma_start3A_303 : memref<2000xi32, #tpu.memory_space<hbm>>) target(%dma_start3A_302 : memref<2000xi32, #tpu.memory_space<vmem>>) target_semaphore(%arg21 : memref<!tpu.dma_semaphore, #tpu.memory_space<semaphore_mem>>)
        %add3A_304 = arith.constant 1600000 : i32
        %add3A_305 = arith.addi %add3A_304, %add3A_297 : i32
        %dma_start3A_306 = arith.constant 2000 : i32
        %dma_start3A_307 = tpu.memref_slice %arg8[%dma_start3A_306] : memref<4000xi32, #tpu.memory_space<vmem>> -> memref<2000xi32, #tpu.memory_space<vmem>>
        %dma_start3A_308 = tpu.memref_slice %arg5[%add3A_305] : memref<3200000xi32, #tpu.memory_space<hbm>> -> memref<2000xi32, #tpu.memory_space<hbm>>
        %dma_start3A_309 = arith.constant 2000 : i32
        %dma_start3A_310 = tpu.memref_slice %arg8[%dma_start3A_309] : memref<4000xi32, #tpu.memory_space<vmem>> -> memref<2000xi32, #tpu.memory_space<vmem>>
        %dma_start3A_311 = tpu.memref_slice %arg5[%add3A_305] : memref<3200000xi32, #tpu.memory_space<hbm>> -> memref<2000xi32, #tpu.memory_space<hbm>>
        tpu.enqueue_dma source(%dma_start3A_311 : memref<2000xi32, #tpu.memory_space<hbm>>) target(%dma_start3A_310 : memref<2000xi32, #tpu.memory_space<vmem>>) target_semaphore(%arg21 : memref<!tpu.dma_semaphore, #tpu.memory_space<semaphore_mem>>)
      } else {
      }
      %add3A_268 = arith.constant 1 : i32
      %add3A_269 = arith.addi %add3A_224, %add3A_268 : i32
      %lt3A_270 = arith.constant 25 : i32
      %lt3A_271 = arith.cmpi slt, %add3A_269, %lt3A_270 : i32
      %convert_element_type3A_272 = arith.extui %lt3A_271 : i1 to i32
      %cond3A_273 = arith.constant 0 : i32
      %cond3A_274 = arith.cmpi ne, %convert_element_type3A_272, %cond3A_273 : i32
      scf.if %cond3A_274 {
        %dma_wait3A_293 = arith.constant 0 : i32
        %dma_wait3A_294 = tpu.memref_slice %arg7[%dma_wait3A_293] : memref<4000xi32, #tpu.memory_space<vmem>> -> memref<2000xi32, #tpu.memory_space<vmem>>
        %dma_wait3A_295 = tpu.memref_slice %arg5[%mul3A_2] : memref<3200000xi32, #tpu.memory_space<hbm>> -> memref<2000xi32, #tpu.memory_space<hbm>>
        %dma_wait3A_296 = arith.constant 0 : i32
        %dma_wait3A_297 = tpu.memref_slice %arg7[%dma_wait3A_296] : memref<4000xi32, #tpu.memory_space<vmem>> -> memref<2000xi32, #tpu.memory_space<vmem>>
        %dma_wait3A_298 = tpu.memref_slice %arg5[%mul3A_2] : memref<3200000xi32, #tpu.memory_space<hbm>> -> memref<2000xi32, #tpu.memory_space<hbm>>
        tpu.wait_dma2 semaphore(%arg20 : memref<!tpu.dma_semaphore, #tpu.memory_space<semaphore_mem>>) src(%dma_wait3A_298 : memref<2000xi32, #tpu.memory_space<hbm>>) dst(%dma_wait3A_297 : memref<2000xi32, #tpu.memory_space<vmem>>)
        %add3A_299 = arith.constant 1600000 : i32
        %add3A_300 = arith.addi %add3A_299, %mul3A_2 : i32
        %dma_wait3A_301 = arith.constant 2000 : i32
        %dma_wait3A_302 = tpu.memref_slice %arg7[%dma_wait3A_301] : memref<4000xi32, #tpu.memory_space<vmem>> -> memref<2000xi32, #tpu.memory_space<vmem>>
        %dma_wait3A_303 = tpu.memref_slice %arg5[%add3A_300] : memref<3200000xi32, #tpu.memory_space<hbm>> -> memref<2000xi32, #tpu.memory_space<hbm>>
        %dma_wait3A_304 = arith.constant 2000 : i32
        %dma_wait3A_305 = tpu.memref_slice %arg7[%dma_wait3A_304] : memref<4000xi32, #tpu.memory_space<vmem>> -> memref<2000xi32, #tpu.memory_space<vmem>>
        %dma_wait3A_306 = tpu.memref_slice %arg5[%add3A_300] : memref<3200000xi32, #tpu.memory_space<hbm>> -> memref<2000xi32, #tpu.memory_space<hbm>>
        tpu.wait_dma2 semaphore(%arg20 : memref<!tpu.dma_semaphore, #tpu.memory_space<semaphore_mem>>) src(%dma_wait3A_306 : memref<2000xi32, #tpu.memory_space<hbm>>) dst(%dma_wait3A_305 : memref<2000xi32, #tpu.memory_space<vmem>>)
        %dma_start3A_307 = arith.constant 0 : i32
        %dma_start3A_308 = tpu.memref_slice %arg9[%dma_start3A_307] : memref<4000xf32, #tpu.memory_space<vmem>> -> memref<2000xf32, #tpu.memory_space<vmem>>
        %dma_start3A_309 = arith.constant 0 : i32
        %dma_start3A_310 = tpu.memref_slice %arg7[%dma_start3A_309] : memref<4000xi32, #tpu.memory_space<vmem>> -> memref<2000xi32, #tpu.memory_space<vmem>>
        %dma_start3A_311 = arith.constant 0 : i32
        %dma_start3A_312 = tpu.memref_slice %arg17[%dma_start3A_311] : memref<100000xf32, #tpu.memory_space<vmem_shared>> -> memref<100000xf32, #tpu.memory_space<vmem_shared>>
        tpu.enqueue_indirect_dma source(%dma_start3A_312 : memref<100000xf32, #tpu.memory_space<vmem_shared>>) target(%dma_start3A_308 : memref<2000xf32, #tpu.memory_space<vmem>>) offsets(%dma_start3A_310 : memref<2000xi32, #tpu.memory_space<vmem>>) semaphore(%arg22 : memref<!tpu.dma_semaphore, #tpu.memory_space<semaphore_mem>>)
        %dma_start3A_313 = arith.constant 2000 : i32
        %dma_start3A_314 = tpu.memref_slice %arg9[%dma_start3A_313] : memref<4000xf32, #tpu.memory_space<vmem>> -> memref<2000xf32, #tpu.memory_space<vmem>>
        %dma_start3A_315 = arith.constant 2000 : i32
        %dma_start3A_316 = tpu.memref_slice %arg7[%dma_start3A_315] : memref<4000xi32, #tpu.memory_space<vmem>> -> memref<2000xi32, #tpu.memory_space<vmem>>
        %dma_start3A_317 = arith.constant 0 : i32
        %dma_start3A_318 = tpu.memref_slice %arg17[%dma_start3A_317] : memref<100000xf32, #tpu.memory_space<vmem_shared>> -> memref<100000xf32, #tpu.memory_space<vmem_shared>>
        tpu.enqueue_indirect_dma source(%dma_start3A_318 : memref<100000xf32, #tpu.memory_space<vmem_shared>>) target(%dma_start3A_314 : memref<2000xf32, #tpu.memory_space<vmem>>) offsets(%dma_start3A_316 : memref<2000xi32, #tpu.memory_space<vmem>>) semaphore(%arg22 : memref<!tpu.dma_semaphore, #tpu.memory_space<semaphore_mem>>)
        %dma_start3A_319 = arith.constant 0 : i32
        %dma_start3A_320 = tpu.memref_slice %arg10[%dma_start3A_319] : memref<4000xf32, #tpu.memory_space<vmem>> -> memref<2000xf32, #tpu.memory_space<vmem>>
        %dma_start3A_321 = arith.constant 0 : i32
        %dma_start3A_322 = tpu.memref_slice %arg7[%dma_start3A_321] : memref<4000xi32, #tpu.memory_space<vmem>> -> memref<2000xi32, #tpu.memory_space<vmem>>
        %dma_start3A_323 = arith.constant 0 : i32
        %dma_start3A_324 = tpu.memref_slice %arg18[%dma_start3A_323] : memref<100000xf32, #tpu.memory_space<vmem_shared>> -> memref<100000xf32, #tpu.memory_space<vmem_shared>>
        tpu.enqueue_indirect_dma source(%dma_start3A_324 : memref<100000xf32, #tpu.memory_space<vmem_shared>>) target(%dma_start3A_320 : memref<2000xf32, #tpu.memory_space<vmem>>) offsets(%dma_start3A_322 : memref<2000xi32, #tpu.memory_space<vmem>>) semaphore(%arg22 : memref<!tpu.dma_semaphore, #tpu.memory_space<semaphore_mem>>)
        %dma_start3A_325 = arith.constant 2000 : i32
        %dma_start3A_326 = tpu.memref_slice %arg10[%dma_start3A_325] : memref<4000xf32, #tpu.memory_space<vmem>> -> memref<2000xf32, #tpu.memory_space<vmem>>
        %dma_start3A_327 = arith.constant 2000 : i32
        %dma_start3A_328 = tpu.memref_slice %arg7[%dma_start3A_327] : memref<4000xi32, #tpu.memory_space<vmem>> -> memref<2000xi32, #tpu.memory_space<vmem>>
        %dma_start3A_329 = arith.constant 0 : i32
        %dma_start3A_330 = tpu.memref_slice %arg18[%dma_start3A_329] : memref<100000xf32, #tpu.memory_space<vmem_shared>> -> memref<100000xf32, #tpu.memory_space<vmem_shared>>
        tpu.enqueue_indirect_dma source(%dma_start3A_330 : memref<100000xf32, #tpu.memory_space<vmem_shared>>) target(%dma_start3A_326 : memref<2000xf32, #tpu.memory_space<vmem>>) offsets(%dma_start3A_328 : memref<2000xi32, #tpu.memory_space<vmem>>) semaphore(%arg22 : memref<!tpu.dma_semaphore, #tpu.memory_space<semaphore_mem>>)
        %dma_start3A_331 = arith.constant 0 : i32
        %dma_start3A_332 = tpu.memref_slice %arg11[%dma_start3A_331] : memref<4000xf32, #tpu.memory_space<vmem>> -> memref<2000xf32, #tpu.memory_space<vmem>>
        %dma_start3A_333 = arith.constant 0 : i32
        %dma_start3A_334 = tpu.memref_slice %arg7[%dma_start3A_333] : memref<4000xi32, #tpu.memory_space<vmem>> -> memref<2000xi32, #tpu.memory_space<vmem>>
        %dma_start3A_335 = arith.constant 0 : i32
        %dma_start3A_336 = tpu.memref_slice %arg19[%dma_start3A_335] : memref<100000xf32, #tpu.memory_space<vmem_shared>> -> memref<100000xf32, #tpu.memory_space<vmem_shared>>
        tpu.enqueue_indirect_dma source(%dma_start3A_336 : memref<100000xf32, #tpu.memory_space<vmem_shared>>) target(%dma_start3A_332 : memref<2000xf32, #tpu.memory_space<vmem>>) offsets(%dma_start3A_334 : memref<2000xi32, #tpu.memory_space<vmem>>) semaphore(%arg22 : memref<!tpu.dma_semaphore, #tpu.memory_space<semaphore_mem>>)
        %dma_start3A_337 = arith.constant 2000 : i32
        %dma_start3A_338 = tpu.memref_slice %arg11[%dma_start3A_337] : memref<4000xf32, #tpu.memory_space<vmem>> -> memref<2000xf32, #tpu.memory_space<vmem>>
        %dma_start3A_339 = arith.constant 2000 : i32
        %dma_start3A_340 = tpu.memref_slice %arg7[%dma_start3A_339] : memref<4000xi32, #tpu.memory_space<vmem>> -> memref<2000xi32, #tpu.memory_space<vmem>>
        %dma_start3A_341 = arith.constant 0 : i32
        %dma_start3A_342 = tpu.memref_slice %arg19[%dma_start3A_341] : memref<100000xf32, #tpu.memory_space<vmem_shared>> -> memref<100000xf32, #tpu.memory_space<vmem_shared>>
        tpu.enqueue_indirect_dma source(%dma_start3A_342 : memref<100000xf32, #tpu.memory_space<vmem_shared>>) target(%dma_start3A_338 : memref<2000xf32, #tpu.memory_space<vmem>>) offsets(%dma_start3A_340 : memref<2000xi32, #tpu.memory_space<vmem>>) semaphore(%arg22 : memref<!tpu.dma_semaphore, #tpu.memory_space<semaphore_mem>>)
      } else {
      }
      %ge3A_275 = arith.constant 2 : i32
      %ge3A_276 = arith.cmpi sge, %add3A_224, %ge3A_275 : i32
      %convert_element_type3A_277 = arith.extui %ge3A_276 : i1 to i32
      %cond3A_278 = arith.constant 0 : i32
      %cond3A_279 = arith.cmpi ne, %convert_element_type3A_277, %cond3A_278 : i32
      scf.if %cond3A_279 {
        %sub3A = arith.constant 2 : i32
        %sub3A_293 = arith.subi %add3A_224, %sub3A : i32
        %mul3A_294 = arith.constant 2000 : i32
        %mul3A_295 = arith.muli %sub3A_293, %mul3A_294 : i32
        %add3A_296 = arith.addi %mul3A_2, %mul3A_295 : i32
        %dma_wait3A_297 = tpu.memref_slice %arg6[%add3A_296] : memref<1600000xf32, #tpu.memory_space<hbm>> -> memref<2000xf32, #tpu.memory_space<hbm>>
        %dma_wait3A_298 = tpu.memref_slice %arg6[%add3A_296] : memref<1600000xf32, #tpu.memory_space<hbm>> -> memref<2000xf32, #tpu.memory_space<hbm>>
        tpu.wait_dma2 semaphore(%arg25 : memref<!tpu.dma_semaphore, #tpu.memory_space<semaphore_mem>>) src(%arg16 : memref<2000xf32, #tpu.memory_space<vmem>>) dst(%dma_wait3A_298 : memref<2000xf32, #tpu.memory_space<hbm>>)
      } else {
      }
      %scan3A_280 = arith.constant 0 : i32
      %scan3A_281 = arith.constant 0 : i32
      %scan3A_282 = arith.constant 125 : i32
      %scan3A_283 = arith.addi %scan3A_281, %scan3A_282 : i32
      %scan3A_284 = arith.constant 1 : i32
      %scan3A_285 = scf.for %scan3A_293 = %scan3A_281 to %scan3A_283 step %scan3A_284 iter_args(%scan3A_294 = %scan3A_280) -> (i32)  : i32 {
        %mul3A_295 = arith.constant 16 : i32
        %mul3A_296 = arith.muli %scan3A_293, %mul3A_295 : i32
        %add3A_297 = arith.constant 2000 : i32
        %add3A_298 = arith.addi %add3A_297, %mul3A_296 : i32
        %get3A = arith.index_cast %mul3A_296 : i32 to index
        %get3A_299 = tpu.vector_load %arg12[%get3A] {strides = array<i32>} : memref<4000xf32, #tpu.memory_space<vmem>>, vector<16xf32>,
        %get3A_300 = vector.shape_cast %get3A_299 : vector<16xf32> to vector<16xf32>
        %get3A_301 = arith.index_cast %add3A_298 : i32 to index
        %get3A_302 = tpu.vector_load %arg12[%get3A_301] {strides = array<i32>} : memref<4000xf32, #tpu.memory_space<vmem>>, vector<16xf32>,
        %get3A_303 = vector.shape_cast %get3A_302 : vector<16xf32> to vector<16xf32>
        %sub3A = arith.subf %get3A_300, %get3A_303 : vector<16xf32>
        %get3A_304 = arith.index_cast %mul3A_296 : i32 to index
        %get3A_305 = tpu.vector_load %arg13[%get3A_304] {strides = array<i32>} : memref<4000xf32, #tpu.memory_space<vmem>>, vector<16xf32>,
        %get3A_306 = vector.shape_cast %get3A_305 : vector<16xf32> to vector<16xf32>
        %get3A_307 = arith.index_cast %add3A_298 : i32 to index
        %get3A_308 = tpu.vector_load %arg13[%get3A_307] {strides = array<i32>} : memref<4000xf32, #tpu.memory_space<vmem>>, vector<16xf32>,
        %get3A_309 = vector.shape_cast %get3A_308 : vector<16xf32> to vector<16xf32>
        %sub3A_310 = arith.subf %get3A_306, %get3A_309 : vector<16xf32>
        %get3A_311 = arith.index_cast %mul3A_296 : i32 to index
        %get3A_312 = tpu.vector_load %arg14[%get3A_311] {strides = array<i32>} : memref<4000xf32, #tpu.memory_space<vmem>>, vector<16xf32>,
        %get3A_313 = vector.shape_cast %get3A_312 : vector<16xf32> to vector<16xf32>
        %get3A_314 = arith.index_cast %add3A_298 : i32 to index
        %get3A_315 = tpu.vector_load %arg14[%get3A_314] {strides = array<i32>} : memref<4000xf32, #tpu.memory_space<vmem>>, vector<16xf32>,
        %get3A_316 = vector.shape_cast %get3A_315 : vector<16xf32> to vector<16xf32>
        %sub3A_317 = arith.subf %get3A_313, %get3A_316 : vector<16xf32>
        %mul3A_318 = arith.mulf %sub3A, %sub3A : vector<16xf32>
        %mul3A_319 = arith.mulf %sub3A_310, %sub3A_310 : vector<16xf32>
        %add3A_320 = arith.addf %mul3A_318, %mul3A_319 : vector<16xf32>
        %mul3A_321 = arith.mulf %sub3A_317, %sub3A_317 : vector<16xf32>
        %add3A_322 = arith.addf %add3A_320, %mul3A_321 : vector<16xf32>
        %swap3A = arith.index_cast %mul3A_296 : i32 to index
        %swap3A_323 = tpu.vector_load %arg16[%swap3A] {strides = array<i32>} : memref<2000xf32, #tpu.memory_space<vmem>>, vector<16xf32>,
        %swap3A_324 = vector.shape_cast %swap3A_323 : vector<16xf32> to vector<16xf32>
        %swap3A_325 = vector.shape_cast %add3A_322 : vector<16xf32> to vector<16xf32>
        tpu.vector_store %arg16[%swap3A], %swap3A_325 {strides = array<i32>} : memref<2000xf32, #tpu.memory_space<vmem>>, vector<16xf32>,
        %scan3A_326 = arith.constant 0 : i32
        scf.yield %scan3A_326 : i32
      }
      %scan3A_286 = arith.constant 125 : i32
      %mul3A_287 = arith.constant 2000 : i32
      %mul3A_288 = arith.muli %add3A_224, %mul3A_287 : i32
      %add3A_289 = arith.addi %mul3A_2, %mul3A_288 : i32
      %dma_start3A_290 = tpu.memref_slice %arg6[%add3A_289] : memref<1600000xf32, #tpu.memory_space<hbm>> -> memref<2000xf32, #tpu.memory_space<hbm>>
      %dma_start3A_291 = tpu.memref_slice %arg6[%add3A_289] : memref<1600000xf32, #tpu.memory_space<hbm>> -> memref<2000xf32, #tpu.memory_space<hbm>>
      tpu.enqueue_dma source(%arg16 : memref<2000xf32, #tpu.memory_space<vmem>>) target(%dma_start3A_291 : memref<2000xf32, #tpu.memory_space<hbm>>) target_semaphore(%arg25 : memref<!tpu.dma_semaphore, #tpu.memory_space<semaphore_mem>>)
      %scan3A_292 = arith.constant 0 : i32
      scf.yield %scan3A_292 : i32
    }
    %scan3A_90 = arith.constant 12 : i32
    %dma_wait3A_91 = arith.constant 0 : i32
    %dma_wait3A_92 = tpu.memref_slice %arg9[%dma_wait3A_91] : memref<4000xf32, #tpu.memory_space<vmem>> -> memref<2000xf32, #tpu.memory_space<vmem>>
    %dma_wait3A_93 = arith.constant 0 : i32
    %dma_wait3A_94 = tpu.memref_slice %arg7[%dma_wait3A_93] : memref<4000xi32, #tpu.memory_space<vmem>> -> memref<2000xi32, #tpu.memory_space<vmem>>
    %dma_wait3A_95 = arith.constant 0 : i32
    %dma_wait3A_96 = tpu.memref_slice %arg17[%dma_wait3A_95] : memref<100000xf32, #tpu.memory_space<vmem_shared>> -> memref<100000xf32, #tpu.memory_space<vmem_shared>>
    tpu.wait_indirect_dma semaphore(%arg22 : memref<!tpu.dma_semaphore, #tpu.memory_space<semaphore_mem>>) src(%dma_wait3A_96 : memref<100000xf32, #tpu.memory_space<vmem_shared>>) dst(%dma_wait3A_92 : memref<2000xf32, #tpu.memory_space<vmem>>)
    %dma_wait3A_97 = arith.constant 2000 : i32
    %dma_wait3A_98 = tpu.memref_slice %arg9[%dma_wait3A_97] : memref<4000xf32, #tpu.memory_space<vmem>> -> memref<2000xf32, #tpu.memory_space<vmem>>
    %dma_wait3A_99 = arith.constant 2000 : i32
    %dma_wait3A_100 = tpu.memref_slice %arg7[%dma_wait3A_99] : memref<4000xi32, #tpu.memory_space<vmem>> -> memref<2000xi32, #tpu.memory_space<vmem>>
    %dma_wait3A_101 = arith.constant 0 : i32
    %dma_wait3A_102 = tpu.memref_slice %arg17[%dma_wait3A_101] : memref<100000xf32, #tpu.memory_space<vmem_shared>> -> memref<100000xf32, #tpu.memory_space<vmem_shared>>
    tpu.wait_indirect_dma semaphore(%arg22 : memref<!tpu.dma_semaphore, #tpu.memory_space<semaphore_mem>>) src(%dma_wait3A_102 : memref<100000xf32, #tpu.memory_space<vmem_shared>>) dst(%dma_wait3A_98 : memref<2000xf32, #tpu.memory_space<vmem>>)
    %dma_wait3A_103 = arith.constant 0 : i32
    %dma_wait3A_104 = tpu.memref_slice %arg10[%dma_wait3A_103] : memref<4000xf32, #tpu.memory_space<vmem>> -> memref<2000xf32, #tpu.memory_space<vmem>>
    %dma_wait3A_105 = arith.constant 0 : i32
    %dma_wait3A_106 = tpu.memref_slice %arg7[%dma_wait3A_105] : memref<4000xi32, #tpu.memory_space<vmem>> -> memref<2000xi32, #tpu.memory_space<vmem>>
    %dma_wait3A_107 = arith.constant 0 : i32
    %dma_wait3A_108 = tpu.memref_slice %arg18[%dma_wait3A_107] : memref<100000xf32, #tpu.memory_space<vmem_shared>> -> memref<100000xf32, #tpu.memory_space<vmem_shared>>
    tpu.wait_indirect_dma semaphore(%arg22 : memref<!tpu.dma_semaphore, #tpu.memory_space<semaphore_mem>>) src(%dma_wait3A_108 : memref<100000xf32, #tpu.memory_space<vmem_shared>>) dst(%dma_wait3A_104 : memref<2000xf32, #tpu.memory_space<vmem>>)
    %dma_wait3A_109 = arith.constant 2000 : i32
    %dma_wait3A_110 = tpu.memref_slice %arg10[%dma_wait3A_109] : memref<4000xf32, #tpu.memory_space<vmem>> -> memref<2000xf32, #tpu.memory_space<vmem>>
    %dma_wait3A_111 = arith.constant 2000 : i32
    %dma_wait3A_112 = tpu.memref_slice %arg7[%dma_wait3A_111] : memref<4000xi32, #tpu.memory_space<vmem>> -> memref<2000xi32, #tpu.memory_space<vmem>>
    %dma_wait3A_113 = arith.constant 0 : i32
    %dma_wait3A_114 = tpu.memref_slice %arg18[%dma_wait3A_113] : memref<100000xf32, #tpu.memory_space<vmem_shared>> -> memref<100000xf32, #tpu.memory_space<vmem_shared>>
    tpu.wait_indirect_dma semaphore(%arg22 : memref<!tpu.dma_semaphore, #tpu.memory_space<semaphore_mem>>) src(%dma_wait3A_114 : memref<100000xf32, #tpu.memory_space<vmem_shared>>) dst(%dma_wait3A_110 : memref<2000xf32, #tpu.memory_space<vmem>>)
    %dma_wait3A_115 = arith.constant 0 : i32
    %dma_wait3A_116 = tpu.memref_slice %arg11[%dma_wait3A_115] : memref<4000xf32, #tpu.memory_space<vmem>> -> memref<2000xf32, #tpu.memory_space<vmem>>
    %dma_wait3A_117 = arith.constant 0 : i32
    %dma_wait3A_118 = tpu.memref_slice %arg7[%dma_wait3A_117] : memref<4000xi32, #tpu.memory_space<vmem>> -> memref<2000xi32, #tpu.memory_space<vmem>>
    %dma_wait3A_119 = arith.constant 0 : i32
    %dma_wait3A_120 = tpu.memref_slice %arg19[%dma_wait3A_119] : memref<100000xf32, #tpu.memory_space<vmem_shared>> -> memref<100000xf32, #tpu.memory_space<vmem_shared>>
    tpu.wait_indirect_dma semaphore(%arg22 : memref<!tpu.dma_semaphore, #tpu.memory_space<semaphore_mem>>) src(%dma_wait3A_120 : memref<100000xf32, #tpu.memory_space<vmem_shared>>) dst(%dma_wait3A_116 : memref<2000xf32, #tpu.memory_space<vmem>>)
    %dma_wait3A_121 = arith.constant 2000 : i32
    %dma_wait3A_122 = tpu.memref_slice %arg11[%dma_wait3A_121] : memref<4000xf32, #tpu.memory_space<vmem>> -> memref<2000xf32, #tpu.memory_space<vmem>>
    %dma_wait3A_123 = arith.constant 2000 : i32
    %dma_wait3A_124 = tpu.memref_slice %arg7[%dma_wait3A_123] : memref<4000xi32, #tpu.memory_space<vmem>> -> memref<2000xi32, #tpu.memory_space<vmem>>
    %dma_wait3A_125 = arith.constant 0 : i32
    %dma_wait3A_126 = tpu.memref_slice %arg19[%dma_wait3A_125] : memref<100000xf32, #tpu.memory_space<vmem_shared>> -> memref<100000xf32, #tpu.memory_space<vmem_shared>>
    tpu.wait_indirect_dma semaphore(%arg22 : memref<!tpu.dma_semaphore, #tpu.memory_space<semaphore_mem>>) src(%dma_wait3A_126 : memref<100000xf32, #tpu.memory_space<vmem_shared>>) dst(%dma_wait3A_122 : memref<2000xf32, #tpu.memory_space<vmem>>)
    %add3A_127 = arith.constant 44000 : i32
    %add3A_128 = arith.addi %mul3A_2, %add3A_127 : i32
    %dma_wait3A_129 = tpu.memref_slice %arg6[%add3A_128] : memref<1600000xf32, #tpu.memory_space<hbm>> -> memref<2000xf32, #tpu.memory_space<hbm>>
    %dma_wait3A_130 = tpu.memref_slice %arg6[%add3A_128] : memref<1600000xf32, #tpu.memory_space<hbm>> -> memref<2000xf32, #tpu.memory_space<hbm>>
    tpu.wait_dma2 semaphore(%arg24 : memref<!tpu.dma_semaphore, #tpu.memory_space<semaphore_mem>>) src(%arg15 : memref<2000xf32, #tpu.memory_space<vmem>>) dst(%dma_wait3A_130 : memref<2000xf32, #tpu.memory_space<hbm>>)
    %scan3A_131 = arith.constant 0 : i32
    %scan3A_132 = arith.constant 0 : i32
    %scan3A_133 = arith.constant 125 : i32
    %scan3A_134 = arith.addi %scan3A_132, %scan3A_133 : i32
    %scan3A_135 = arith.constant 1 : i32
    %scan3A_136 = scf.for %scan3A_150 = %scan3A_132 to %scan3A_134 step %scan3A_135 iter_args(%scan3A_151 = %scan3A_131) -> (i32)  : i32 {
      %mul3A_152 = arith.constant 16 : i32
      %mul3A_153 = arith.muli %scan3A_150, %mul3A_152 : i32
      %add3A_154 = arith.constant 2000 : i32
      %add3A_155 = arith.addi %add3A_154, %mul3A_153 : i32
      %get3A = arith.index_cast %mul3A_153 : i32 to index
      %get3A_156 = tpu.vector_load %arg9[%get3A] {strides = array<i32>} : memref<4000xf32, #tpu.memory_space<vmem>>, vector<16xf32>,
      %get3A_157 = vector.shape_cast %get3A_156 : vector<16xf32> to vector<16xf32>
      %get3A_158 = arith.index_cast %add3A_155 : i32 to index
      %get3A_159 = tpu.vector_load %arg9[%get3A_158] {strides = array<i32>} : memref<4000xf32, #tpu.memory_space<vmem>>, vector<16xf32>,
      %get3A_160 = vector.shape_cast %get3A_159 : vector<16xf32> to vector<16xf32>
      %sub3A = arith.subf %get3A_157, %get3A_160 : vector<16xf32>
      %get3A_161 = arith.index_cast %mul3A_153 : i32 to index
      %get3A_162 = tpu.vector_load %arg10[%get3A_161] {strides = array<i32>} : memref<4000xf32, #tpu.memory_space<vmem>>, vector<16xf32>,
      %get3A_163 = vector.shape_cast %get3A_162 : vector<16xf32> to vector<16xf32>
      %get3A_164 = arith.index_cast %add3A_155 : i32 to index
      %get3A_165 = tpu.vector_load %arg10[%get3A_164] {strides = array<i32>} : memref<4000xf32, #tpu.memory_space<vmem>>, vector<16xf32>,
      %get3A_166 = vector.shape_cast %get3A_165 : vector<16xf32> to vector<16xf32>
      %sub3A_167 = arith.subf %get3A_163, %get3A_166 : vector<16xf32>
      %get3A_168 = arith.index_cast %mul3A_153 : i32 to index
      %get3A_169 = tpu.vector_load %arg11[%get3A_168] {strides = array<i32>} : memref<4000xf32, #tpu.memory_space<vmem>>, vector<16xf32>,
      %get3A_170 = vector.shape_cast %get3A_169 : vector<16xf32> to vector<16xf32>
      %get3A_171 = arith.index_cast %add3A_155 : i32 to index
      %get3A_172 = tpu.vector_load %arg11[%get3A_171] {strides = array<i32>} : memref<4000xf32, #tpu.memory_space<vmem>>, vector<16xf32>,
      %get3A_173 = vector.shape_cast %get3A_172 : vector<16xf32> to vector<16xf32>
      %sub3A_174 = arith.subf %get3A_170, %get3A_173 : vector<16xf32>
      %mul3A_175 = arith.mulf %sub3A, %sub3A : vector<16xf32>
      %mul3A_176 = arith.mulf %sub3A_167, %sub3A_167 : vector<16xf32>
      %add3A_177 = arith.addf %mul3A_175, %mul3A_176 : vector<16xf32>
      %mul3A_178 = arith.mulf %sub3A_174, %sub3A_174 : vector<16xf32>
      %add3A_179 = arith.addf %add3A_177, %mul3A_178 : vector<16xf32>
      %swap3A = arith.index_cast %mul3A_153 : i32 to index
      %swap3A_180 = tpu.vector_load %arg15[%swap3A] {strides = array<i32>} : memref<2000xf32, #tpu.memory_space<vmem>>, vector<16xf32>,
      %swap3A_181 = vector.shape_cast %swap3A_180 : vector<16xf32> to vector<16xf32>
      %swap3A_182 = vector.shape_cast %add3A_179 : vector<16xf32> to vector<16xf32>
      tpu.vector_store %arg15[%swap3A], %swap3A_182 {strides = array<i32>} : memref<2000xf32, #tpu.memory_space<vmem>>, vector<16xf32>,
      %scan3A_183 = arith.constant 0 : i32
      scf.yield %scan3A_183 : i32
    }
    %scan3A_137 = arith.constant 125 : i32
    %add3A_138 = arith.constant 48000 : i32
    %add3A_139 = arith.addi %mul3A_2, %add3A_138 : i32
    %dma_start3A_140 = tpu.memref_slice %arg6[%add3A_139] : memref<1600000xf32, #tpu.memory_space<hbm>> -> memref<2000xf32, #tpu.memory_space<hbm>>
    %dma_start3A_141 = tpu.memref_slice %arg6[%add3A_139] : memref<1600000xf32, #tpu.memory_space<hbm>> -> memref<2000xf32, #tpu.memory_space<hbm>>
    tpu.enqueue_dma source(%arg15 : memref<2000xf32, #tpu.memory_space<vmem>>) target(%dma_start3A_141 : memref<2000xf32, #tpu.memory_space<hbm>>) target_semaphore(%arg24 : memref<!tpu.dma_semaphore, #tpu.memory_space<semaphore_mem>>)
    %add3A_142 = arith.constant 46000 : i32
    %add3A_143 = arith.addi %mul3A_2, %add3A_142 : i32
    %dma_wait3A_144 = tpu.memref_slice %arg6[%add3A_143] : memref<1600000xf32, #tpu.memory_space<hbm>> -> memref<2000xf32, #tpu.memory_space<hbm>>
    %dma_wait3A_145 = tpu.memref_slice %arg6[%add3A_143] : memref<1600000xf32, #tpu.memory_space<hbm>> -> memref<2000xf32, #tpu.memory_space<hbm>>
    tpu.wait_dma2 semaphore(%arg25 : memref<!tpu.dma_semaphore, #tpu.memory_space<semaphore_mem>>) src(%arg16 : memref<2000xf32, #tpu.memory_space<vmem>>) dst(%dma_wait3A_145 : memref<2000xf32, #tpu.memory_space<hbm>>)
    %add3A_146 = arith.constant 48000 : i32
    %add3A_147 = arith.addi %mul3A_2, %add3A_146 : i32
    %dma_wait3A_148 = tpu.memref_slice %arg6[%add3A_147] : memref<1600000xf32, #tpu.memory_space<hbm>> -> memref<2000xf32, #tpu.memory_space<hbm>>
    %dma_wait3A_149 = tpu.memref_slice %arg6[%add3A_147] : memref<1600000xf32, #tpu.memory_space<hbm>> -> memref<2000xf32, #tpu.memory_space<hbm>>
    tpu.wait_dma2 semaphore(%arg24 : memref<!tpu.dma_semaphore, #tpu.memory_space<semaphore_mem>>) src(%arg15 : memref<2000xf32, #tpu.memory_space<vmem>>) dst(%dma_wait3A_149 : memref<2000xf32, #tpu.memory_space<hbm>>)
    return
  }
}

module attributes {stable_mosaic.version = 14 : i64} {
  func.func @body(%arg0: i32, %arg1: memref<32768xf32, #tpu.memory_space<vmem>>, %arg2: memref<16x1xf32, #tpu.memory_space<vmem>>, %arg3: memref<16x1xf32, #tpu.memory_space<vmem>>, %arg4: memref<16x32768xf32, #tpu.memory_space<vmem>>) attributes {dimension_semantics = [#tpu.dimension_semantics<arbitrary>], iteration_bounds = array<i64: 49>, scalar_prefetch = 0 : i64, scratch_operands = 0 : i64, tpu.core_type = #tpu.core_type<tc>, window_params = [{transform_indices = @transform_0, window_bounds = array<i64: 32768>}, {pipeline_mode = #tpu.pipeline_mode<synchronous>, transform_indices = @transform_1, window_bounds = array<i64: 16, 1>}, {pipeline_mode = #tpu.pipeline_mode<synchronous>, transform_indices = @transform_2, window_bounds = array<i64: 16, 1>}, {transform_indices = @transform_3, window_bounds = array<i64: 16, 32768>}]} {
    %get3A = arith.constant 0 : index
    %get3A_0 = vector.load %arg1[%get3A] : memref<32768xf32, #tpu.memory_space<vmem>>, vector<32768xf32>
    %sqrt3A = math.sqrt %get3A_0 : vector<32768xf32>
    %get3A_1 = arith.constant 0 : index
    %get3A_2 = arith.constant 0 : index
    %get3A_3 = vector.load %arg2[%get3A_1, %get3A_2] : memref<16x1xf32, #tpu.memory_space<vmem>>, vector<16x1xf32>
    %get3A_4 = arith.constant 0 : index
    %get3A_5 = arith.constant 0 : index
    %get3A_6 = vector.load %arg3[%get3A_4, %get3A_5] : memref<16x1xf32, #tpu.memory_space<vmem>>, vector<16x1xf32>
    %mul3A = arith.mulf %get3A_6, %get3A_6 : vector<16x1xf32>
    %div3A = arith.constant -5.000000e-01 : f32
    %div3A_7 = vector.broadcast %div3A : f32 to vector<16x1xf32>
    %div3A_8 = arith.divf %div3A_7, %mul3A : vector<16x1xf32>
    %broadcast_in_dim3A = vector.shape_cast %sqrt3A : vector<32768xf32> to vector<1x32768xf32>
    %sub3A = vector.broadcast %broadcast_in_dim3A : vector<1x32768xf32> to vector<16x32768xf32>
    %sub3A_9 = vector.broadcast %get3A_3 : vector<16x1xf32> to vector<16x32768xf32>
    %sub3A_10 = arith.subf %sub3A, %sub3A_9 : vector<16x32768xf32>
    %mul3A_11 = arith.mulf %sub3A_10, %sub3A_10 : vector<16x32768xf32>
    %mul3A_12 = vector.broadcast %div3A_8 : vector<16x1xf32> to vector<16x32768xf32>
    %mul3A_13 = arith.mulf %mul3A_11, %mul3A_12 : vector<16x32768xf32>
    %exp3A = math.exp %mul3A_13 : vector<16x32768xf32>
    %swap3A = arith.constant 0 : index
    %swap3A_14 = arith.constant 0 : index
    %swap3A_15 = vector.load %arg4[%swap3A, %swap3A_14] : memref<16x32768xf32, #tpu.memory_space<vmem>>, vector<16x32768xf32>
    tpu.vector_store %arg4[%swap3A, %swap3A_14], %exp3A {strides = array<i32>} : memref<16x32768xf32, #tpu.memory_space<vmem>>, vector<16x32768xf32>,
    return
  }
  func.func @transform_0(%arg0: i32) -> i32 {
    %c0_i32 = arith.constant 0 : i32
    return %arg0 : i32
  }
  func.func @transform_1(%arg0: i32) -> (i32, i32) {
    %c0_i32 = arith.constant 0 : i32
    %c0_i32_0 = arith.constant 0 : i32
    %c0_i32_1 = arith.constant 0 : i32
    return %c0_i32, %c0_i32_0 : i32, i32
  }
  func.func @transform_2(%arg0: i32) -> (i32, i32) {
    %c0_i32 = arith.constant 0 : i32
    %c0_i32_0 = arith.constant 0 : i32
    %c0_i32_1 = arith.constant 0 : i32
    return %c0_i32, %c0_i32_0 : i32, i32
  }
  func.func @transform_3(%arg0: i32) -> (i32, i32) {
    %c0_i32 = arith.constant 0 : i32
    %c0_i32_0 = arith.constant 0 : i32
    return %c0_i32, %arg0 : i32, i32
  }
}

</mosaic_0001>

<sc_bundles>
// kernel: kernel.4.cloned.1.call-start
scs
__scs_entry_jumppad:
0x0: {  	(pc) =	sbr.rel $0x88, $3  }
0x1: {  	(tag) =	ssettag $0x0;
	lr =	simm.s32 $0x1  }
0x2: {  	[smem:$0x3F9D] =	sst lr;
	_ =	strace $0xD0000000  }
0x3: {  	_ = 	snop  }
0x4: {  	_ = 	snop  }
0x5: {  	_ = 	snop  }
0x6: {  	_ = 	snop  }
0x7: {  	_ = 	snop  }
__scs_overlays_trampoline_lowered:
0x8: {  	[smem:$0x3FAC] =	sst s0  }
0x9: {  	[smem:$0x3FAD] =	sst s1  }
0xa: {  	[smem:$0x3FAE] =	sst s2  }
0xb: {  	[smem:$0x3FAF] =	sst s3  }
0xc: {  	[smem:$0x3FB0] =	sst s4  }
0xd: {  	[smem:$0x3FB1] =	sst s5  }
0xe: {  	[smem:$0x3FB2] =	sst s6  }
0xf: {  	[smem:$0x3FB3] =	sst s7  }
0x10: {  	[smem:$0x3FB4] =	sst s8  }
0x11: {  	[smem:$0x3FB5] =	sst s9;
	s0 =	simm.s32 @!p0 $0x0  }
0x12: {  	s1 =	sld [smem:$0x3F9B];
	s0 =	simm.s32 @p0 $0x1  }
0x13: {  	[smem:$0x3FB6] =	sst s0;
	s0 =	simm.s32 @!p1 $0x0  }
0x14: {  	s2 =	sld [smem:$0x3F9A];
	s0 =	simm.s32 @p1 $0x1  }
0x15: {  	[smem:$0x3FB7] =	sst s0;
	s0 =	simm.s32 @!p2 $0x0  }
0x16: {  	s3 =	sld [smem:$0x3FDB];
	s0 =	simm.s32 @p2 $0x1  }
0x17: {  	s4 =	simm.s32 $0x1BF5;
	[smem:$0x3FB9] =	sst s0  }
0x18: {  	s0 =	sld [smem:$0x3F9C];
	_ =	swait.ge [sflag:s4], $0x0  }
0x19: {  	s7 =	sld [smem:$0x3F9D]  }
0x1a: {  	s8 =	sadd.s32 $0xFFFFE003, lr  }
0x1b: {  	s9 =	sadd.s32 $0xFFFFFEF7, lr;
	s5 =	simm.s32 $0xFFFFFFFF;
	p2 =	slt.u32 s8, $0xFFFFF086  }
0x1c: {  	p1 =	slt.u32 s9, $0xF7A;
	s5 =	simm.s32 @!p2 $0x0  }
0x1d: {  	s5 =	simm.s32 @p1 $0x1;
	p0 =	seq.s32 s7, s2  }
0x1e: {  	s7 =	smul.u32 @!p0 $0xF7A, s2;
	p2 =	seq.s32 @!p0 s5, $0x0  }
0x1f: {  	s9 =	smul.u32 $0xF7A, s1;
	s8 =	simm.s32 @!p0 $0x1BF5;
	p2 =	por !p2, p0  }
0x20: {  	[sflag:s8] =	ssyncset.s32 @!p0 $0xFFFFF086;
	s6 =	sadd.s32 @!p0 s3, s7;
	s7 =	simm.s32 @!p0 $0x108  }
0x21: {  	s3 =	sadd.s32 s3, s9;
	s6 =	sadd.s32 @!p0 $0x88, s6;
	s7 =	simm.s32 @p2 $0x1082  }
0x22: {  	[simem:s7], [sflag:s8] =	dma.local @!p0 [hbm:s6], $0xF7A  }
0x23: {  	s9 =	sor.u32 $0xD0000000, s2;
	s6 =	simm.s32 $0x108;
	_ =	swait.ge @!p0 [sflag:s8], $0x0  }
0x24: {  	s3 =	sadd.s32 $0x88, s3;
	s6 =	simm.s32 @!p1 $0x1082;
	[sflag:s4] =	ssyncset.s32 $0xFFFFF086  }
0x25: {  	[simem:s6], [sflag:s4] =	dma.local [hbm:s3], $0xF7A  }
0x26: {  	[smem:$0x3F9D] =	sst s1;
	(tag) =	ssettag s2;
	_ =	strace s9  }
0x27: {  	s1 =	sld [smem:$0x3FAD]  }
0x28: {  	s2 =	sld [smem:$0x3FAE]  }
0x29: {  	s4 =	sld [smem:$0x3FB0]  }
0x2a: {  	p0 =	seq.s32 s5, $0x0;
	s5 =	sld [smem:$0x3FB1]  }
0x2b: {  	s6 =	sld [smem:$0x3FB2]  }
0x2c: {  	s7 =	sld [smem:$0x3FB3]  }
0x2d: {  	s3 =	simm.s32 $0x108;
	s8 =	sld [smem:$0x3FB4]  }
0x2e: {  	s3 =	simm.s32 @!p0 $0x1082;
	s9 =	sld [smem:$0x3FB5]  }
0x2f: {  	lr =	sadd.s32 s0, s3;
	s0 =	sld [smem:$0x3FAC]  }
0x30: {  	s3 =	sld [smem:$0x3FAF]  }
0x31: {  	[smem:$0x3FB8] =	sst s10  }
0x32: {  	s10 =	sld [smem:$0x3FB6];
	_ =	sdelay $0x3  }
0x33: {  	p0 =	seq.s32 s10, $0x1;
	s10 =	sld [smem:$0x3FB8];
	_ =	sdelay $0x3  }
0x34: {  	[smem:$0x3FB8] =	sst s10  }
0x35: {  	s10 =	sld [smem:$0x3FB7];
	_ =	sdelay $0x3  }
0x36: {  	p1 =	seq.s32 s10, $0x1;
	s10 =	sld [smem:$0x3FB8];
	_ =	sdelay $0x3  }
0x37: {  	[smem:$0x3FB8] =	sst s10  }
0x38: {  	s10 =	sld [smem:$0x3FB9]  }
0x39: {  	_ = 	snop;
	(pc) =	sbr.ind lr, $3  }
0x3a: {  	_ = 	snop  }
0x3b: {  	_ = 	snop  }
0x3c: {  	p2 =	seq.s32 s10, $0x1;
	s10 =	sld [smem:$0x3FB8]  }
0x3d: {  	_ =	shalt  }
0x3e: {  	_ =	shalt  }
0x3f: {  	_ =	shalt  }
0x40: {  	_ =	shalt  }
0x41: {  	_ =	shalt  }
0x42: {  	_ =	shalt  }
0x43: {  	_ =	shalt  }
0x44: {  	_ =	shalt  }
0x45: {  	_ =	shalt  }
0x46: {  	_ =	shalt  }
0x47: {  	_ =	shalt  }
0x48: {  	_ =	shalt  }
0x49: {  	_ =	shalt  }
0x4a: {  	_ =	shalt  }
0x4b: {  	_ =	shalt  }
0x4c: {  	_ =	shalt  }
0x4d: {  	_ =	shalt  }
0x4e: {  	_ =	shalt  }
0x4f: {  	_ =	shalt  }
0x50: {  	_ =	shalt  }
0x51: {  	_ =	shalt  }
0x52: {  	_ =	shalt  }
0x53: {  	_ =	shalt  }
0x54: {  	_ =	shalt  }
0x55: {  	_ =	shalt  }
0x56: {  	_ =	shalt  }
0x57: {  	_ =	shalt  }
0x58: {  	_ =	shalt  }
0x59: {  	_ =	shalt  }
0x5a: {  	_ =	shalt  }
0x5b: {  	_ =	shalt  }
0x5c: {  	_ =	shalt  }
0x5d: {  	_ =	shalt  }
0x5e: {  	_ =	shalt  }
0x5f: {  	_ =	shalt  }
0x60: {  	_ =	shalt  }
0x61: {  	_ =	shalt  }
0x62: {  	_ =	shalt  }
0x63: {  	_ =	shalt  }
0x64: {  	_ =	shalt  }
0x65: {  	_ =	shalt  }
0x66: {  	_ =	shalt  }
0x67: {  	_ =	shalt  }
0x68: {  	_ =	shalt  }
0x69: {  	_ =	shalt  }
0x6a: {  	_ =	shalt  }
0x6b: {  	_ =	shalt  }
0x6c: {  	_ =	shalt  }
0x6d: {  	_ =	shalt  }
0x6e: {  	_ =	shalt  }
0x6f: {  	_ =	shalt  }
0x70: {  	_ =	shalt  }
0x71: {  	_ =	shalt  }
0x72: {  	_ =	shalt  }
0x73: {  	_ =	shalt  }
0x74: {  	_ =	shalt  }
0x75: {  	_ =	shalt  }
0x76: {  	_ =	shalt  }
0x77: {  	_ =	shalt  }
0x78: {  	_ =	shalt  }
0x79: {  	_ =	shalt  }
0x7a: {  	_ =	shalt  }
0x7b: {  	_ =	shalt  }
0x7c: {  	_ =	shalt  }
0x7d: {  	_ =	shalt  }
0x7e: {  	_ =	shalt  }
0x7f: {  	_ =	shalt  }
0x80: {  	_ =	shalt  }
0x81: {  	_ =	shalt  }
0x82: {  	_ =	shalt  }
0x83: {  	_ =	shalt  }
0x84: {  	_ =	shalt  }
0x85: {  	_ =	shalt  }
0x86: {  	_ =	shalt  }
0x87: {  	_ =	shalt  }
.Lfunc_end0:
.L_simem_size_0:
called_computation_lowered:
.L_overlay_start_0:
0x88: {  	s2 =	sld [smem:$0x3FD9]  }
0x89: {  	s3 =	sld [smem:$0x3FFE];
	_ =	sdelay $0x1  }
0x8a: {  	s1 =	srdreg.scid  }
0x8b: {  	s0 =	sand.u32 $0x1, s1  }
0x8c: {  	s17 =	sshll.u32 s0, $0xA;
	s2 =	sadd.s32 s3, s2  }
0x8d: {  	s2 =	sadd.s32 s2, s17  }
0x8e: {  	[smem:$0x3FC4] =	sst s2  }
0x8f: {  	_ = 	snop  }
0x90: {  	s2 =	sld [smem:$0x3FD0];
	(tm) =	ssettm $0x1  }
0x91: {  	s18 =	sld [smem:$0x3FFB];
	_ =	sdelay $0x3  }
0x92: {  	_ =	strace s18  }
0x93: {  	s3 =	sld [smem:$0x3FFC];
	_ =	sdelay $0x3  }
0x94: {  	_ =	strace s3  }
0x95: {  	s3 =	sld [smem:$0x3FFD];
	_ =	sdelay $0x3  }
0x96: {  	_ =	strace s3  }
0x97: {  	_ =	strace $0x8FFFFFFF  }
0x98: {  	s19 =	sld [smem:$0x3FDB];
	_ =	sdelay $0x1  }
0x99: {  	s4 =	simm.s32 $_scs_section_size  }
0x9a: {  	s5 =	simm.s32 $_size__tile_overlayer_lowered;
	s6 =	simm.s32 $_tile_overlayer_lowered  }
0x9b: {  	s22 =	simm.s32 $0x1BFF;
	s21 =	sshll.u32 s6, $0x1;
	s3 =	sadd.s32 s4, s19  }
0x9c: {  	s7 =	simm.s32 $0x0;
	s20 =	sshll.u32 s5, $0x1;
	s5 =	sadd.s32 s21, s3  }
0x9d: {  	[timem:s7], [sflag:s22] =	dma.local [hbm:s5], s20  }
0x9e: {  	_ =	swait.ge [sflag:s22], s20  }
0x9f: {  	s4 =	ssub.s32 $0x0, s20;
	[sflag:s22] =	ssyncset.done $0x0  }
0xa0: {  	[sflag:s22] =	ssyncadd.s32 s4;
	_ =	sdelay $0x1  }
0xa1: {  	s23 =	simm.s32 $0x1B8B  }
0xa2: {  	_ =	swait.ge [sflag:s23], $0x1  }
0xa3: {  	[sflag:s23] =	ssyncset.done $0x0  }
0xa4: {  	s25 =	simm.s32 $0x1B8E;
	s24 =	sld [smem:$0x3FFE];
	[sflag:s23] =	ssyncadd.s32 $0xFFFFFFFF  }
0xa5: {  	s26 =	simm.s32 $execute0_lowered;
	[smem:$0x3FD2] =	sst s25  }
0xa6: {  	s5 =	sshll.u32 s26, $0x1;
	_ =	strace $0x80000046;
	[dreg:$0x1] =	wrdreg $0xFFFFFFFF  }
0xa7: {  	s28 =	simm.s32 $_size_execute0_lowered;
	s3 =	sadd.s32 s3, s5;
	[dreg:$0x0] =	wrdreg $0x0  }
0xa8: {  	s5 =	sshll.u32 s28, $0x1;
	[dreg:$0x2] =	wrdreg s3  }
0xa9: {  	[dreg:$0x3] =	wrdreg s5  }
0xaa: {  	[dreg:$0x4] =	wrdreg $0xC0  }
0xab: {  	_ =	task [dreg:s7], $0x5FFFF  }
0xac: {  	[dreg:$0x1] =	wrdreg $0xFFFFFFFF  }
0xad: {  	[dreg:$0x0] =	wrdreg $0x60  }
0xae: {  	[dreg:$0x2] =	wrdreg s24  }
0xaf: {  	[dreg:$0x3] =	wrdreg s2  }
0xb0: {  	[dreg:$0x4] =	wrdreg $0x90000  }
0xb1: {  	[dreg:$0x5] =	wrdreg $0xA8700  }
0xb2: {  	[dreg:$0x6] =	wrdreg $0xC0E00  }
0xb3: {  	[dreg:$0x7] =	wrdreg $0x9  }
0xb4: {  	_ =	task.clear_ibuf [dreg:s7], $0x8FFFF;
	_ =	strace $0x90000046  }
0xb5: {  	s29 =	simm.s32 $0x9;
	_ =	strace $0x80000048  }
0xb6: {  	_ =	swait.ge [sflag:s29], $0x1  }
0xb7: {  	[sflag:s29] =	ssyncadd.s32 $0xFFFFFFFF  }
0xb8: {  	_ =	strace $0x90000048  }
0xb9: {  	_ =	sfence  }
0xba: {  	s30 =	sld [smem:$0x0];
	_ =	sdelay $0x2  }
0xbb: {  	s31 =	sshll.u32 s1, $0xD;
	s1 =	sshrl.u32 s1, $0x2  }
0xbc: {  	s3 =	sand.u32 $0x4000, s31;
	s1 =	sadd.s32 s1, s30  }
0xbd: {  	s0 =	sor.u32 s3, s0;
	s1 =	sshll.u32 s1, $0x11  }
0xbe: {  	s0 =	sor.u32 s1, s0  }
0xbf: {  	s0 =	sadd.s32 $0x8F2B, s0  }
0xc0: {  	[sflag:s0] =	ssyncadd.remote.s32 $0x1  }
0xc1: {  	_ =	sfence.sel $0xFFFF  }
0xc2: {  	[dreg:$0x0] =	wrdreg $0xFFFFFFFF;
	(pc) =	sbr.abs _section_cstart, $3  }
0xc3: {  	[dreg:$0x1] =	wrdreg $0xFFFFFFFF  }
0xc4: {  	_ =	task.clear_ibuf [dreg:s7], $0x2FFFF;
	_ =	strace $0x9FFFFFFF  }
0xc5: {  	(tm) =	ssettm $0x7FFFFFFF  }
tec
execute0_lowered:
.L_overlay_start_1:
0x0: {  	(tag) =	ssettag $0x1  }
0x1: {  	s9 =	rddreg [dreg:$0x0]  }
0x2: {  	s2 =	rddreg [dreg:$0x1]  }
0x3: {  	s3 =	rddreg [dreg:$0x2]  }
0x4: {  	s4 =	rddreg [dreg:$0x3]  }
0x5: {  	s5 =	rddreg [dreg:$0x4];
	s0 =	srdreg.scid  }
0x6: {  	s1 =	stileid.u32;
	s6 =	simm.s32 $0x0;
	s28 =	simm.s32 $0x3000  }
0x7: {  	s29 =	simm.s32 $0x37D0;
	s30 =	simm.s32 $0x4000;
	s31 =	simm.s32 $0x47D0  }
0x8: {  	s19 =	simm.s32 $0x7000;
	s20 =	simm.s32 $0x77D0;
	s14 =	simm.s32 $0x0  }
0x9: {  	s0 =	sand.u32 $0x1, s0;
	s7 =	sshll.u32 s1, $0x1;
	[smem:$0x7FF] =	sst s6  }
0xa: {  	s8 =	sadd.s32 $0x6400, s9;
	s21 =	sadd.s32 $0x3200, s9;
	s10 =	sadd.s32 $0x9600, s9  }
0xb: {  	p0 =	sne.s32 s1, $0x0;
	s1 =	simm.s32 $0x17D0;
	s9 =	simm.s32 $0x2  }
0xc: {  	s7 =	sor.u32 s0, s7;
	_ =	strace $0x80000047;
	s0 =	ssub.s32 $0x2, s0  }
0xd: {  	[dreg:$0x6] =	wrdreg s8;
	s8 =	smul.u32 $0xC350, s7;
	s22 =	sshrl.u32 s0, $0x1  }
0xe: {  	[dreg:$0x7] =	wrdreg s21;
	s21 =	simm.s32 $0x8000;
	s0 =	ssub.s32 s0, s22  }
0xf: {  	s22 =	simm.s32 $0x4;
	s23 =	sshrl.u32 s8, $0x3;
	s0 =	smax.u32 s0, $0x1  }
0x10: {  	s11 =	sadd.s32 $0x7D0, s8;
	s12 =	sadd.s32 s2, s23;
	[dreg:$0xd] =	wrdreg s0  }
0x11: {  	s16 =	sadd.s32 $0xFA0, s8;
	s0 =	sshrl.u32 @!p0 s3, $0x3;
	[dreg:$0x8] =	wrdreg s12  }
0x12: {  	s24 =	sshrl.u32 s11, $0x3;
	s13 =	sadd.s32 $0x30D40, s12;
	[dreg:$0xe] =	wrdreg s0  }
0x13: {  	s17 =	sadd.s32 $0x1770, s8;
	s7 =	sadd.s32 s2, s24;
	[dreg:$0x9] =	wrdreg s13  }
0x14: {  	s26 =	sadd.s32 s10, s23;
	s25 =	sadd.s32 $0x30E3A, s12;
	[dreg:$0xa] =	wrdreg s7  }
0x15: {  	s23 =	simm.s32 $0x7D0;
	s0 =	sshrl.u32 @!p0 s4, $0x3;
	[dreg:$0xb] =	wrdreg s25  }
0x16: {  	s24 =	simm.s32 $0x1;
	s7 =	sadd.s32 $0x1770, s26;
	[dreg:$0xf] =	wrdreg s0  }
0x17: {  	s12 =	simm.s32 $0x8800;
	s0 =	sshrl.u32 @!p0 s5, $0x3;
	[dreg:$0xc] =	wrdreg s7  }
0x18: {  	[dreg:$0x10] =	wrdreg s0;
	s0 =	simm.s32 $0x1000;
	s7 =	simm.s32 $0x3  }
.LBB2_1:
0x19: {  	[dreg:$0x11] =	wrdreg s14  }
0x1a: {  	s14 =	rddreg [dreg:$0x6]  }
0x1b: {  	s13 =	simm.s32 @!p0 $0x1C07;
	s15 =	rddreg [dreg:$0xe]  }
0x1c: {  	[spmem:s15], [sflag:s13] =	dma.local @!p0 [hbm:s14], $0x30E0  }
0x1d: {  	s14 =	simm.s32 @!p0 $0x7  }
0x1e: {  	_ =	swait.ge @!p0 [sflag:s14], $0x30E0  }
0x1f: {  	[sflag:s14] =	ssyncset.done @!p0 $0x0;
	s15 =	rddreg [dreg:$0x7]  }
0x20: {  	s18 =	rddreg [dreg:$0xf];
	[sflag:s14] =	ssyncadd.s32 @!p0 $0xFFFFCF20  }
0x21: {  	[spmem:s18], [sflag:s13] =	dma.local @!p0 [hbm:s15], $0x30E0  }
0x22: {  	_ =	swait.ge @!p0 [sflag:s14], $0x30E0  }
0x23: {  	[sflag:s14] =	ssyncset.done @!p0 $0x0  }
0x24: {  	s18 =	rddreg [dreg:$0x10];
	[sflag:s14] =	ssyncadd.s32 @!p0 $0xFFFFCF20  }
0x25: {  	s15 =	rddreg [dreg:$0x0]  }
0x26: {  	[spmem:s18], [sflag:s13] =	dma.local @!p0 [hbm:s15], $0x30E0  }
0x27: {  	_ =	swait.ge @!p0 [sflag:s14], $0x30E0  }
0x28: {  	[sflag:s14] =	ssyncset.done @!p0 $0x0  }
0x29: {  	[sflag:s14] =	ssyncadd.s32 @!p0 $0xFFFFCF20  }
0x2a: {  	[bflag:$0x0] =	sbarrier.arrive $0xFFFF  }
0x2b: {  	s26 =	rddreg [dreg:$0x8]  }
0x2c: {  	[tilespmem:s6], [sflag:$0x1] =	stream.linear.gather [hbm4b:s26+s6], $0x7D0, $0x38;
	[tilespmem:$0xD950] =	vst v63  }
0x2d: {  	s14 =	rddreg [dreg:$0x9]  }
0x2e: {  	[tilespmem:s23], [sflag:$0x1] =	stream.linear.gather [hbm4b:s14+s6], $0x7D0, $0x38;
	[tilespmem:$0xD950] =	vst v63  }
0x2f: {  	_ =	swait.ge [sflag:s24], $0x7D0  }
0x30: {  	[sflag:s24] =	ssyncset.done $0x0  }
0x31: {  	[sflag:s24] =	ssyncadd.s32 $0xFFFFF830  }
0x32: {  	_ =	swait.ge [sflag:s24], $0x7D0  }
0x33: {  	[sflag:s24] =	ssyncset.done $0x0  }
0x34: {  	s15 =	simm.s32 $0x2000;
	[sflag:s24] =	ssyncadd.s32 $0xFFFFF830  }
0x35: {  	[tilespmem:s15], [sflag:$0x3] =	stream.indirect.gather [spmem:s3], $0x1, s6, s23, $0xb8;
	[tilespmem:$0xD950] =	vst v63  }
0x36: {  	s18 =	simm.s32 $0x27D0  }
0x37: {  	[tilespmem:s18], [sflag:$0x3] =	stream.indirect.gather [spmem:s3], $0x1, s23, s23, $0xb8;
	[tilespmem:$0xD950] =	vst v63  }
0x38: {  	_ = 	snop  }
0x39: {  	[tilespmem:s28], [sflag:$0x3] =	stream.indirect.gather [spmem:s4], $0x1, s6, s23, $0xb8;
	[tilespmem:$0xD950] =	vst v63  }
0x3a: {  	_ = 	snop  }
0x3b: {  	[tilespmem:s29], [sflag:$0x3] =	stream.indirect.gather [spmem:s4], $0x1, s23, s23, $0xb8;
	[tilespmem:$0xD950] =	vst v63  }
0x3c: {  	_ = 	snop  }
0x3d: {  	[tilespmem:s30], [sflag:$0x3] =	stream.indirect.gather [spmem:s5], $0x1, s6, s23, $0xb8;
	[tilespmem:$0xD950] =	vst v63  }
0x3e: {  	_ = 	snop  }
0x3f: {  	[tilespmem:s31], [sflag:$0x3] =	stream.indirect.gather [spmem:s5], $0x1, s23, s23, $0xb8;
	[tilespmem:$0xD950] =	vst v63  }
0x40: {  	s25 =	rddreg [dreg:$0xa]  }
0x41: {  	[tilespmem:s0], [sflag:$0x2] =	stream.linear.gather [hbm4b:s25+s6], $0x7D0, $0x38;
	[tilespmem:$0xD950] =	vst v63  }
0x42: {  	s13 =	simm.s32 $0x0;
	s26 =	rddreg [dreg:$0xb]  }
0x43: {  	[tilespmem:s1], [sflag:$0x2] =	stream.linear.gather [hbm4b:s26+s6], $0x7D0, $0x38;
	[tilespmem:$0xD950] =	vst v63  }
.LBB2_2:
0x44: {  	_ =	swait.ge [sflag:s7], $0x7D0  }
0x45: {  	[sflag:s7] =	ssyncset.done $0x0  }
0x46: {  	[sflag:s7] =	ssyncadd.s32 $0xFFFFF830  }
0x47: {  	_ =	swait.ge [sflag:s7], $0x7D0  }
0x48: {  	[sflag:s7] =	ssyncset.done $0x0  }
0x49: {  	[sflag:s7] =	ssyncadd.s32 $0xFFFFF830  }
0x4a: {  	_ =	swait.ge [sflag:s7], $0x7D0  }
0x4b: {  	[sflag:s7] =	ssyncset.done $0x0  }
0x4c: {  	[sflag:s7] =	ssyncadd.s32 $0xFFFFF830  }
0x4d: {  	_ =	swait.ge [sflag:s7], $0x7D0  }
0x4e: {  	[sflag:s7] =	ssyncset.done $0x0  }
0x4f: {  	[sflag:s7] =	ssyncadd.s32 $0xFFFFF830  }
0x50: {  	_ =	swait.ge [sflag:s7], $0x7D0  }
0x51: {  	s14 =	smul.u32 $0xFA0, s13;
	[sflag:s7] =	ssyncset.done $0x0  }
0x52: {  	[sflag:s7] =	ssyncadd.s32 $0xFFFFF830  }
0x53: {  	s15 =	sadd.s32 s14, s16;
	_ =	swait.ge [sflag:s7], $0x7D0  }
0x54: {  	s15 =	sshrl.u32 s15, $0x3;
	[sflag:s7] =	ssyncset.done $0x0  }
0x55: {  	s15 =	sadd.s32 s2, s15;
	[sflag:s7] =	ssyncadd.s32 $0xFFFFF830  }
0x56: {  	[tilespmem:s6], [sflag:$0x1] =	stream.linear.gather [hbm4b:s15+s6], $0x7D0, $0x38;
	[tilespmem:$0xD950] =	vst v63  }
0x57: {  	s15 =	sadd.s32 $0x30D40, s15  }
0x58: {  	[tilespmem:s23], [sflag:$0x1] =	stream.linear.gather [hbm4b:s15+s6], $0x7D0, $0x38;
	[tilespmem:$0xD950] =	vst v63  }
0x59: {  	_ =	swait.ge [sflag:s9], $0x7D0  }
0x5a: {  	[sflag:s9] =	ssyncset.done $0x0  }
0x5b: {  	[sflag:s9] =	ssyncadd.s32 $0xFFFFF830  }
0x5c: {  	_ =	swait.ge [sflag:s9], $0x7D0  }
0x5d: {  	[sflag:s9] =	ssyncset.done $0x0  }
0x5e: {  	s26 =	simm.s32 $0x5000;
	[sflag:s9] =	ssyncadd.s32 $0xFFFFF830  }
0x5f: {  	[tilespmem:s26], [sflag:$0x4] =	stream.indirect.gather [spmem:s3], $0x1, s0, s23, $0xb8;
	[tilespmem:$0xD950] =	vst v63  }
0x60: {  	s18 =	simm.s32 $0x57D0  }
0x61: {  	[tilespmem:s18], [sflag:$0x4] =	stream.indirect.gather [spmem:s3], $0x1, s1, s23, $0xb8;
	[tilespmem:$0xD950] =	vst v63  }
0x62: {  	s25 =	simm.s32 $0x6000  }
0x63: {  	[tilespmem:s25], [sflag:$0x4] =	stream.indirect.gather [spmem:s4], $0x1, s0, s23, $0xb8;
	[tilespmem:$0xD950] =	vst v63  }
0x64: {  	s26 =	simm.s32 $0x67D0  }
0x65: {  	[tilespmem:s26], [sflag:$0x4] =	stream.indirect.gather [spmem:s4], $0x1, s1, s23, $0xb8;
	[tilespmem:$0xD950] =	vst v63  }
0x66: {  	p1 =	seq.s32 s13, $0x0  }
0x67: {  	[tilespmem:s19], [sflag:$0x4] =	stream.indirect.gather [spmem:s5], $0x1, s0, s23, $0xb8;
	[tilespmem:$0xD950] =	vst v63  }
0x68: {  	s15 =	simm.s32 @!p1 $0x5  }
0x69: {  	[tilespmem:s20], [sflag:$0x4] =	stream.indirect.gather [spmem:s5], $0x1, s1, s23, $0xb8;
	[tilespmem:$0xD950] =	vst v63  }
0x6a: {  	_ =	swait.ge @!p1 [sflag:s15], $0x7D0  }
0x6b: {  	[sflag:s15] =	ssyncset.done @!p1 $0x0  }
0x6c: {  	[sflag:s15] =	ssyncadd.s32 @!p1 $0xFFFFF830;
	s15 =	simm.s32 $0x0  }
0x6d: {  	v2 =	vld [tilespmem:s15+$0x2000]  }
0x6e: {  	v3 =	vld [tilespmem:s15+$0x27D0]  }
0x6f: {  	v4 =	vld [tilespmem:s15+$0x3000]  }
0x70: {  	v5 =	vld [tilespmem:s15+$0x37D0]  }
0x71: {  	v6 =	vld [tilespmem:s15+$0x4000]  }
0x72: {  	s25 =	simm.s32 $0x10;
	v7 =	vld [tilespmem:s15+$0x47D0]  }
0x73: {  	v0 =	vld [tilespmem:s25+$0x2000]  }
0x74: {  	v1 =	vld [tilespmem:s25+$0x27D0]  }
0x75: {  	v8 =	vsub.f32 v2, v3;
	v2 =	vld [tilespmem:s25+$0x3000];
	v9 =	vsub.f32 v4, v5  }
0x76: {  	v4 =	vld [tilespmem:s25+$0x37D0]  }
0x77: {  	s18 =	simm.s32 $0x80;
	v3 =	vld [tilespmem:s25+$0x4000];
	v5 =	vsub.f32 v6, v7;
	v6 =	vmul.f32 v8, v8;
	v7 =	vmul.f32 v9, v9  }
.LBB2_3:
0x78: {  	s26 =	sshra.s32 s18, $0x2;
	v8 =	vld [tilespmem:s25+$0x47D0];
	v9 =	vmov v0;
	p2 =	sne.s32 s18, $0x1F00  }
.Ltmp0:
0x79: {  	v0 =	vld [tilespmem:s26+$0x2000];
	v6 =	vadd.f32 v7, v6;
	v5 =	vmul.f32 v5, v5;
	(pc) =	sbr.rel @p2 .LBB2_3-.Ltmp0, $4  }
0x7a: {  	v7 =	vsub.f32 v9, v1;
	v1 =	vld [tilespmem:s26+$0x27D0]  }
0x7b: {  	s18 =	sadd.s32 $0x40, s18;
	v9 =	vsub.f32 v2, v4;
	v2 =	vld [tilespmem:s26+$0x3000];
	v10 =	vadd.f32 v5, v6  }
0x7c: {  	v4 =	vld [tilespmem:s26+$0x37D0]  }
0x7d: {  	v6 =	vmul.f32 v7, v7;
	v5 =	vsub.f32 v3, v8;
	v3 =	vld [tilespmem:s26+$0x4000];
	v7 =	vmul.f32 v9, v9;
	[tilespmem:s15+$0x8000] =	vst v10;
	s15 =	smov.u32 s25;
	s25 =	smov.u32 s26  }
0x7e: {  	v8 =	vld [tilespmem:s25+$0x47D0];
	_ =	sdelay $0x2  }
0x7f: {  	v0 =	vsub.f32 v0, v1;
	v1 =	vsub.f32 v2, v4;
	_ =	sdelay $0x1  }
0x80: {  	v0 =	vmul.f32 v0, v0;
	v2 =	vsub.f32 v3, v8;
	v1 =	vmul.f32 v1, v1  }
0x81: {  	v4 =	vmul.f32 v5, v5;
	v3 =	vadd.f32 v7, v6  }
0x82: {  	v0 =	vadd.f32 v1, v0;
	v1 =	vmul.f32 v2, v2  }
0x83: {  	v2 =	vadd.f32 v4, v3  }
0x84: {  	s18 =	sadd.s32 s8, s14;
	v0 =	vadd.f32 v1, v0  }
0x85: {  	s18 =	sshrl.u32 s18, $0x3;
	[tilespmem:s15+$0x8000] =	vst v2  }
0x86: {  	s15 =	sadd.s32 s10, s18;
	[tilespmem:s25+$0x8000] =	vst v0  }
0x87: {  	[hbm4b:s15+s6] =	stream.linear.scatter [tilespmem:s21], [sflag:$0x5], $0x7D0, $0x38;
	[tilespmem:$0xD950] =	vst v63  }
0x88: {  	_ =	swait.ge [sflag:s22], $0x7D0  }
0x89: {  	[sflag:s22] =	ssyncset.done $0x0  }
0x8a: {  	[sflag:s22] =	ssyncadd.s32 $0xFFFFF830  }
0x8b: {  	_ =	swait.ge [sflag:s22], $0x7D0  }
0x8c: {  	[sflag:s22] =	ssyncset.done $0x0  }
0x8d: {  	[sflag:s22] =	ssyncadd.s32 $0xFFFFF830  }
0x8e: {  	_ =	swait.ge [sflag:s22], $0x7D0  }
0x8f: {  	[sflag:s22] =	ssyncset.done $0x0  }
0x90: {  	[sflag:s22] =	ssyncadd.s32 $0xFFFFF830  }
0x91: {  	_ =	swait.ge [sflag:s22], $0x7D0  }
0x92: {  	[sflag:s22] =	ssyncset.done $0x0  }
0x93: {  	[sflag:s22] =	ssyncadd.s32 $0xFFFFF830  }
0x94: {  	_ =	swait.ge [sflag:s22], $0x7D0  }
0x95: {  	[sflag:s22] =	ssyncset.done $0x0  }
0x96: {  	p2 =	seq.s32 s13, $0xB;
	[sflag:s22] =	ssyncadd.s32 $0xFFFFF830  }
0x97: {  	s15 =	sadd.s32 @!p2 s14, s17;
	_ =	swait.ge [sflag:s22], $0x7D0  }
0x98: {  	s18 =	simm.s32 @!p2 $0x0;
	s15 =	sshrl.u32 @!p2 s15, $0x3;
	[sflag:s22] =	ssyncset.done $0x0  }
0x99: {  	s25 =	simm.s32 @!p2 $0x1000;
	s15 =	sadd.s32 @!p2 s2, s15;
	[sflag:s22] =	ssyncadd.s32 $0xFFFFF830  }
0x9a: {  	[tilespmem:s25], [sflag:$0x2] =	stream.linear.gather @!p2 [hbm4b:s15+s18], $0x7D0, $0x38;
	[tilespmem:$0xD950] =	vst v63  }
0x9b: {  	s15 =	sadd.s32 @!p2 $0x30D40, s15;
	s25 =	simm.s32 @!p2 $0x17D0  }
0x9c: {  	[tilespmem:s25], [sflag:$0x2] =	stream.linear.gather @!p2 [hbm4b:s15+s18], $0x7D0, $0x38;
	[tilespmem:$0xD950] =	vst v63  }
0x9d: {  	_ =	swait.ge [sflag:s24], $0x7D0  }
0x9e: {  	[sflag:s24] =	ssyncset.done $0x0  }
0x9f: {  	[sflag:s24] =	ssyncadd.s32 $0xFFFFF830  }
0xa0: {  	_ =	swait.ge [sflag:s24], $0x7D0  }
0xa1: {  	[sflag:s24] =	ssyncset.done $0x0  }
0xa2: {  	s25 =	simm.s32 $0x2000;
	[sflag:s24] =	ssyncadd.s32 $0xFFFFF830  }
0xa3: {  	[tilespmem:s25], [sflag:$0x3] =	stream.indirect.gather [spmem:s3], $0x1, s6, s23, $0xb8;
	[tilespmem:$0xD950] =	vst v63  }
0xa4: {  	s26 =	simm.s32 $0x27D0  }
0xa5: {  	[tilespmem:s26], [sflag:$0x3] =	stream.indirect.gather [spmem:s3], $0x1, s23, s23, $0xb8;
	[tilespmem:$0xD950] =	vst v63  }
0xa6: {  	_ = 	snop  }
0xa7: {  	[tilespmem:s28], [sflag:$0x3] =	stream.indirect.gather [spmem:s4], $0x1, s6, s23, $0xb8;
	[tilespmem:$0xD950] =	vst v63  }
0xa8: {  	_ = 	snop  }
0xa9: {  	[tilespmem:s29], [sflag:$0x3] =	stream.indirect.gather [spmem:s4], $0x1, s23, s23, $0xb8;
	[tilespmem:$0xD950] =	vst v63  }
0xaa: {  	_ = 	snop  }
0xab: {  	[tilespmem:s30], [sflag:$0x3] =	stream.indirect.gather [spmem:s5], $0x1, s6, s23, $0xb8;
	[tilespmem:$0xD950] =	vst v63  }
0xac: {  	s15 =	simm.s32 @!p1 $0x6  }
0xad: {  	[tilespmem:s31], [sflag:$0x3] =	stream.indirect.gather [spmem:s5], $0x1, s23, s23, $0xb8;
	[tilespmem:$0xD950] =	vst v63  }
0xae: {  	_ =	swait.ge @!p1 [sflag:s15], $0x7D0  }
0xaf: {  	[sflag:s15] =	ssyncset.done @!p1 $0x0  }
0xb0: {  	[sflag:s15] =	ssyncadd.s32 @!p1 $0xFFFFF830;
	s15 =	simm.s32 $0x0  }
0xb1: {  	v2 =	vld [tilespmem:s15+$0x5000]  }
0xb2: {  	v3 =	vld [tilespmem:s15+$0x57D0]  }
0xb3: {  	v4 =	vld [tilespmem:s15+$0x6000]  }
0xb4: {  	v5 =	vld [tilespmem:s15+$0x67D0]  }
0xb5: {  	v6 =	vld [tilespmem:s15+$0x7000]  }
0xb6: {  	s25 =	simm.s32 $0x10;
	v7 =	vld [tilespmem:s15+$0x77D0]  }
0xb7: {  	v0 =	vld [tilespmem:s25+$0x5000]  }
0xb8: {  	v1 =	vld [tilespmem:s25+$0x57D0]  }
0xb9: {  	v8 =	vsub.f32 v2, v3;
	v2 =	vld [tilespmem:s25+$0x6000];
	v9 =	vsub.f32 v4, v5  }
0xba: {  	v4 =	vld [tilespmem:s25+$0x67D0]  }
0xbb: {  	s18 =	simm.s32 $0x80;
	v3 =	vld [tilespmem:s25+$0x7000];
	v5 =	vsub.f32 v6, v7;
	v6 =	vmul.f32 v8, v8;
	v7 =	vmul.f32 v9, v9  }
.LBB2_5:
0xbc: {  	s26 =	sshra.s32 s18, $0x2;
	v8 =	vld [tilespmem:s25+$0x77D0];
	v9 =	vmov v0;
	p1 =	sne.s32 s18, $0x1F00  }
.Ltmp1:
0xbd: {  	v0 =	vld [tilespmem:s26+$0x5000];
	v6 =	vadd.f32 v7, v6;
	v5 =	vmul.f32 v5, v5;
	(pc) =	sbr.rel @p1 .LBB2_5-.Ltmp1, $4  }
0xbe: {  	v7 =	vsub.f32 v9, v1;
	v1 =	vld [tilespmem:s26+$0x57D0]  }
0xbf: {  	s18 =	sadd.s32 $0x40, s18;
	v9 =	vsub.f32 v2, v4;
	v2 =	vld [tilespmem:s26+$0x6000];
	v10 =	vadd.f32 v5, v6  }
0xc0: {  	v4 =	vld [tilespmem:s26+$0x67D0]  }
0xc1: {  	v6 =	vmul.f32 v7, v7;
	v5 =	vsub.f32 v3, v8;
	v3 =	vld [tilespmem:s26+$0x7000];
	v7 =	vmul.f32 v9, v9;
	[tilespmem:s15+$0x8800] =	vst v10;
	s15 =	smov.u32 s25;
	s25 =	smov.u32 s26  }
0xc2: {  	v8 =	vld [tilespmem:s25+$0x77D0];
	_ =	sdelay $0x2  }
0xc3: {  	v0 =	vsub.f32 v0, v1;
	v58 =	vsub.f32 v2, v4;
	_ =	sdelay $0x1  }
0xc4: {  	v0 =	vmul.f32 v0, v0;
	v59 =	vsub.f32 v3, v8;
	v1 =	vmul.f32 v58, v58  }
0xc5: {  	s13 =	sadd.s32 $0x1, s13;
	v60 =	vadd.f32 v7, v6;
	v61 =	vmul.f32 v5, v5  }
0xc6: {  	p1 =	sne.s32 s13, $0xC;
	v0 =	vadd.f32 v1, v0;
	v62 =	vmul.f32 v59, v59  }
.Ltmp2:
0xc7: {  	v63 =	vadd.f32 v61, v60;
	(pc) =	sbr.rel @p1 .LBB2_2-.Ltmp2, $4  }
0xc8: {  	s14 =	sadd.s32 s14, s11;
	v0 =	vadd.f32 v62, v0  }
0xc9: {  	s14 =	sshrl.u32 s14, $0x3;
	[tilespmem:s15+$0x8800] =	vst v63  }
0xca: {  	s14 =	sadd.s32 s10, s14;
	[tilespmem:s25+$0x8800] =	vst v0  }
0xcb: {  	[hbm4b:s14+s6] =	stream.linear.scatter [tilespmem:s12], [sflag:$0x6], $0x7D0, $0x38;
	[tilespmem:$0xD950] =	vst v63  }
0xcc: {  	_ =	swait.ge [sflag:s7], $0x7D0  }
0xcd: {  	[sflag:s7] =	ssyncset.done $0x0  }
0xce: {  	[sflag:s7] =	ssyncadd.s32 $0xFFFFF830  }
0xcf: {  	_ =	swait.ge [sflag:s7], $0x7D0  }
0xd0: {  	[sflag:s7] =	ssyncset.done $0x0  }
0xd1: {  	[sflag:s7] =	ssyncadd.s32 $0xFFFFF830  }
0xd2: {  	_ =	swait.ge [sflag:s7], $0x7D0  }
0xd3: {  	[sflag:s7] =	ssyncset.done $0x0  }
0xd4: {  	[sflag:s7] =	ssyncadd.s32 $0xFFFFF830  }
0xd5: {  	_ =	swait.ge [sflag:s7], $0x7D0  }
0xd6: {  	[sflag:s7] =	ssyncset.done $0x0  }
0xd7: {  	[sflag:s7] =	ssyncadd.s32 $0xFFFFF830  }
0xd8: {  	_ =	swait.ge [sflag:s7], $0x7D0  }
0xd9: {  	[sflag:s7] =	ssyncset.done $0x0  }
0xda: {  	[sflag:s7] =	ssyncadd.s32 $0xFFFFF830  }
0xdb: {  	_ =	swait.ge [sflag:s7], $0x7D0  }
0xdc: {  	[sflag:s7] =	ssyncset.done $0x0  }
0xdd: {  	s25 =	simm.s32 $0x5;
	[sflag:s7] =	ssyncadd.s32 $0xFFFFF830  }
0xde: {  	_ =	swait.ge [sflag:s25], $0x7D0  }
0xdf: {  	[sflag:s25] =	ssyncset.done $0x0  }
0xe0: {  	s13 =	simm.s32 $0x0;
	[sflag:s25] =	ssyncadd.s32 $0xFFFFF830  }
0xe1: {  	v2 =	vld [tilespmem:s13+$0x2000]  }
0xe2: {  	v3 =	vld [tilespmem:s13+$0x27D0]  }
0xe3: {  	v4 =	vld [tilespmem:s13+$0x3000]  }
0xe4: {  	v5 =	vld [tilespmem:s13+$0x37D0]  }
0xe5: {  	v6 =	vld [tilespmem:s13+$0x4000]  }
0xe6: {  	s14 =	simm.s32 $0x10;
	v7 =	vld [tilespmem:s13+$0x47D0]  }
0xe7: {  	v0 =	vld [tilespmem:s14+$0x2000]  }
0xe8: {  	v1 =	vld [tilespmem:s14+$0x27D0]  }
0xe9: {  	v8 =	vsub.f32 v2, v3;
	v2 =	vld [tilespmem:s14+$0x3000];
	v9 =	vsub.f32 v4, v5  }
0xea: {  	v4 =	vld [tilespmem:s14+$0x37D0]  }
0xeb: {  	s15 =	simm.s32 $0x80;
	v3 =	vld [tilespmem:s14+$0x4000];
	v5 =	vsub.f32 v6, v7;
	v6 =	vmul.f32 v8, v8;
	v7 =	vmul.f32 v9, v9  }
.LBB2_8:
0xec: {  	s18 =	sshra.s32 s15, $0x2;
	v8 =	vld [tilespmem:s14+$0x47D0];
	v9 =	vmov v0;
	p1 =	sne.s32 s15, $0x1F00  }
.Ltmp3:
0xed: {  	v0 =	vld [tilespmem:s18+$0x2000];
	v6 =	vadd.f32 v7, v6;
	v5 =	vmul.f32 v5, v5;
	(pc) =	sbr.rel @p1 .LBB2_8-.Ltmp3, $4  }
0xee: {  	v7 =	vsub.f32 v9, v1;
	v1 =	vld [tilespmem:s18+$0x27D0]  }
0xef: {  	s15 =	sadd.s32 $0x40, s15;
	v9 =	vsub.f32 v2, v4;
	v2 =	vld [tilespmem:s18+$0x3000];
	v10 =	vadd.f32 v5, v6  }
0xf0: {  	v4 =	vld [tilespmem:s18+$0x37D0]  }
0xf1: {  	v6 =	vmul.f32 v7, v7;
	v5 =	vsub.f32 v3, v8;
	v3 =	vld [tilespmem:s18+$0x4000];
	v7 =	vmul.f32 v9, v9;
	[tilespmem:s13+$0x8000] =	vst v10;
	s13 =	smov.u32 s14;
	s14 =	smov.u32 s18  }
0xf2: {  	v8 =	vld [tilespmem:s14+$0x47D0];
	_ =	sdelay $0x2  }
0xf3: {  	v0 =	vsub.f32 v0, v1;
	v58 =	vsub.f32 v2, v4;
	_ =	sdelay $0x1  }
0xf4: {  	v0 =	vmul.f32 v0, v0;
	v59 =	vsub.f32 v3, v8;
	v1 =	vmul.f32 v58, v58  }
0xf5: {  	v60 =	vadd.f32 v7, v6;
	v61 =	vmul.f32 v5, v5  }
0xf6: {  	v0 =	vadd.f32 v1, v0;
	v62 =	vmul.f32 v59, v59  }
0xf7: {  	v63 =	vadd.f32 v61, v60  }
0xf8: {  	v0 =	vadd.f32 v62, v0  }
0xf9: {  	[tilespmem:s13+$0x8000] =	vst v63  }
0xfa: {  	s15 =	simm.s32 $0x6;
	[tilespmem:s14+$0x8000] =	vst v0;
	s14 =	rddreg [dreg:$0xc]  }
0xfb: {  	[hbm4b:s14+s6] =	stream.linear.scatter [tilespmem:s21], [sflag:$0x5], $0x7D0, $0x38;
	[tilespmem:$0xD950] =	vst v63  }
0xfc: {  	_ =	swait.ge [sflag:s15], $0x7D0  }
0xfd: {  	[sflag:s15] =	ssyncset.done $0x0  }
0xfe: {  	[sflag:s15] =	ssyncadd.s32 $0xFFFFF830  }
0xff: {  	_ =	swait.ge [sflag:s25], $0x7D0  }
0x100: {  	s18 =	rddreg [dreg:$0x11]  }
0x101: {  	s26 =	rddreg [dreg:$0xd];
	s14 =	sadd.s32 $0x1, s18  }
0x102: {  	p1 =	sne.s32 s14, s26  }
.Ltmp4:
0x103: {  	_ = 	snop;
	(pc) =	sbr.rel @p1 .LBB2_1-.Ltmp4, $3  }
0x104: {  	_ =	sdelay $0x1  }
0x105: {  	[sflag:s25] =	ssyncset.done $0x0  }
0x106: {  	[sflag:s25] =	ssyncadd.s32 $0xFFFFF830  }
0x107: {  	_ =	sfence.sel $0x180000  }
0x108: {  	[bflag:$0x0] =	sbarrier.arrive $0xFFFF  }
0x109: {  	_ =	strace $0x90000047  }
0x10a: {  	[bflag:$0x2] =	sbarrier.arrive $0xFFFF  }
0x10b: {  	s0 =	rddreg [dreg:$0x5]  }
0x10c: {  	s0 =	sadd.s32 @!p0 $0x100000, s0  }
0x10d: {  	[sflag:s0] =	ssyncadd.tile.s32 @!p0 $0x1;
	_ =	shalt  }
.Lfunc_end2:
_tile_overlayer_lowered:
.L_overlay_start_2:
0x10e: {  	(tag) =	ssettag $0x2  }
0x10f: {  	s0 =	rddreg [dreg:$0x0];
	s2 =	stileid.u32  }
0x110: {  	s1 =	rddreg [dreg:$0x1];
	p0 =	sne.s32 s2, $0x0  }
0x111: {  	s3 =	rddreg [dreg:$0x2];
	[bflag:$0x3] =	sbarrier.arrive $0xFFFF;
	s2 =	simm.s32 @!p0 $0x1C07  }
0x112: {  	[timem:s3], [sflag:s2] =	dma.local @!p0 [hbm:s0], s1  }
0x113: {  	s0 =	simm.s32 @!p0 $0x7  }
0x114: {  	_ =	swait.ge @!p0 [sflag:s0], s1  }
0x115: {  	s1 =	ssub.s32 @!p0 $0x0, s1;
	[sflag:s0] =	ssyncset.done @!p0 $0x0  }
0x116: {  	[sflag:s0] =	ssyncadd.s32 @!p0 s1  }
0x117: {  	[bflag:$0x3] =	sbarrier.arrive $0xFFFF  }
0x118: {  	_ =	shalt  }

</sc_bundles>
